<compile_context>
chip_gen: v7x
topology: tpu7x:2x2x1
jax: 0.10.2.dev20260603
libtpu: 0.0.44.dev20260713+nightly
codegen_flags: <defaults>
</compile_context>

<pallas_src>
import functools

import jax
import jax.numpy as jnp
from jax import lax
from jax.experimental import pallas as pl
from jax.experimental.pallas import tpu as pltpu
from jax.experimental.pallas import tpu_sc as plsc

DIM = 128
LANES = 16
NC = 2
NS = 16
NW = NC * NS
CHUNK = 64
NSLOT = 2
ROWU = 4

_GATHER_DNUMS = lax.GatherDimensionNumbers(
    offset_dims=(), collapsed_slice_dims=(0,), start_index_map=(0,))


def _shuffle(v, idx):
    return lax.gather(
        v, idx[:, None], dimension_numbers=_GATHER_DNUMS, slice_sizes=(1,),
        mode=lax.GatherScatterMode.PROMISE_IN_BOUNDS)


def _transe_sc(idx_all, ent, rel):
    B = idx_all.shape[0] // 3
    per_w = B // NW
    n_chunks = per_w // CHUNK
    blk = 3 * per_w
    roff = 2 * per_w

    mesh = plsc.VectorSubcoreMesh(core_axis_name="c", subcore_axis_name="s")

    @functools.partial(
        pl.kernel,
        mesh=mesh,
        out_type=jax.ShapeDtypeStruct((B,), jnp.float32),
        scratch_types=[
            pltpu.VMEM((blk,), jnp.int32),
            pltpu.VMEM((NSLOT, 2 * CHUNK, DIM), jnp.float32),
            pltpu.VMEM((NSLOT, CHUNK, DIM), jnp.float32),
            pltpu.VMEM((per_w,), jnp.float32),
            pltpu.SemaphoreType.DMA,
            pltpu.SemaphoreType.DMA,
        ],
    )
    def k(idx_hbm, ent_hbm, rel_hbm, out_hbm,
          idxv, htbuf, rbuf, outv, sem0, sem1):
        sems = (sem0, sem1)
        lane = lax.iota(jnp.int32, LANES)
        wid = lax.axis_index("s") * NC + lax.axis_index("c")
        pltpu.sync_copy(idx_hbm.at[pl.ds(wid * blk, 2 * CHUNK)],
                        idxv.at[pl.ds(0, 2 * CHUNK)])
        pltpu.async_copy(
            ent_hbm.at[idxv.at[pl.ds(0, 2 * CHUNK)]], htbuf.at[0], sem0)
        pltpu.sync_copy(idx_hbm.at[pl.ds(wid * blk + 2 * CHUNK,
                                         blk - 2 * CHUNK)],
                        idxv.at[pl.ds(2 * CHUNK, blk - 2 * CHUNK)])

        def fire(c, slot):
            pltpu.async_copy(
                ent_hbm.at[idxv.at[pl.ds(2 * c * CHUNK, 2 * CHUNK)]],
                htbuf.at[slot], sems[slot])
            pltpu.async_copy(
                rel_hbm.at[idxv.at[pl.ds(roff + c * CHUNK, CHUNK)]],
                rbuf.at[slot], sems[slot])

        def drain(c, slot):
            pltpu.make_async_copy(
                ent_hbm.at[idxv.at[pl.ds(2 * c * CHUNK, 2 * CHUNK)]],
                htbuf.at[slot], sems[slot]).wait()
            pltpu.make_async_copy(
                rel_hbm.at[idxv.at[pl.ds(roff + c * CHUNK, CHUNK)]],
                rbuf.at[slot], sems[slot]).wait()

        perms = [lane ^ sh for sh in (8, 4, 2, 1)]

        def compute(c, slot):
            def rows_body(g, res):
                sub = (g % (LANES // ROWU)) * ROWU
                for kk in range(ROWU):
                    i = g * ROWU + kk
                    acc = jnp.zeros((LANES,), jnp.float32)
                    for j in range(DIM // LANES):
                        sl = pl.ds(j * LANES, LANES)
                        h = htbuf[slot, i, sl]
                        t = htbuf[slot, CHUNK + i, sl]
                        r = rbuf[slot, i, sl]
                        acc = acc + jnp.abs(h + r - t)
                    for p in perms:
                        acc = acc + _shuffle(acc, p)
                    res = jnp.where(lane == sub + kk, -acc, res)

                @pl.when(sub == LANES - ROWU)
                def _():
                    outv[pl.ds(c * CHUNK + (g // (LANES // ROWU)) * LANES,
                               LANES)] = res

                return res

            lax.fori_loop(0, CHUNK // ROWU, rows_body,
                          jnp.zeros((LANES,), jnp.float32))

        pltpu.async_copy(
            rel_hbm.at[idxv.at[pl.ds(roff, CHUNK)]], rbuf.at[0], sem0)

        def chunk_body(c, _):
            par = c % 2

            @pl.when(par == 0)
            def _():
                drain(c, 0)

                @pl.when(c + 1 < n_chunks)
                def _():
                    fire(c + 1, 1)

            @pl.when(par == 1)
            def _():
                drain(c, 1)

                @pl.when(c + 1 < n_chunks)
                def _():
                    fire(c + 1, 0)

            compute(c, par)
            return 0

        lax.fori_loop(0, n_chunks, chunk_body, 0)

        pltpu.sync_copy(outv, out_hbm.at[pl.ds(wid * per_w, per_w)])

    return k(idx_all, ent, rel)


def kernel(rel_ids, head, tail, ent, rel):
    per_w = head.shape[0] // NW
    n_chunks = per_w // CHUNK
    ht = jnp.stack(
        [head.astype(jnp.int32).reshape(NW, n_chunks, CHUNK),
         tail.astype(jnp.int32).reshape(NW, n_chunks, CHUNK)],
        axis=2,
    ).reshape(NW, 2 * per_w)
    idx_all = jnp.concatenate(
        [ht, rel_ids.astype(jnp.int32).reshape(NW, per_w)], axis=1
    ).reshape(-1)
    return _transe_sc(idx_all, ent, rel)

# --- scband reference (transcript-rebuilt; emitter-appended) ---
"""Pipeline reference for scband-kgemodel-43954695308084 (READ-ONLY COPY).

The authoritative reference and input builder live on the scoring server;
editing this copy changes nothing except your own understanding.
"""

import jax, jax.numpy as jnp
import numpy as np

NUM_NODES = 1000000
NUM_RELS = 1000
DIM = 128
BATCH = 16384

def setup_inputs(seed: int = 0) -> dict:
    key = jax.random.key(seed)
    k1, k2, k3, k4, k5 = jax.random.split(key, 5)
    ent = jax.random.normal(k1, (NUM_NODES, DIM), dtype=jnp.float32) * 0.01
    rel = jax.random.normal(k2, (NUM_RELS, DIM), dtype=jnp.float32) * 0.01
    rel_ids = jax.random.randint(k3, (BATCH,), 0, NUM_RELS, dtype=jnp.int32).astype(jnp.int64)
    head = jax.random.randint(k4, (BATCH,), 0, NUM_NODES, dtype=jnp.int32).astype(jnp.int64)
    tail = jax.random.randint(k5, (BATCH,), 0, NUM_NODES, dtype=jnp.int32).astype(jnp.int64)
    return {"rel_ids": rel_ids, "head": head, "tail": tail, "ent": ent, "rel": rel}

def reference(rel_ids, head, tail, ent, rel):
    # TransE with p=1: score = -||h + r - t||_1
    h = jnp.take(ent, head, axis=0)
    t = jnp.take(ent, tail, axis=0)
    r = jnp.take(rel, rel_ids, axis=0)
    x = h + r - t
    dist = jnp.sum(jnp.abs(x), axis=-1)
    return -dist

if __name__ == "__main__":
    import jax
    _d = setup_inputs()
    print(jax.jit(kernel)(*tuple(_d.values())))

</pallas_src>

<mosaic_0001>
#map = affine_map<(d0, d1) -> (0)>
#map1 = affine_map<(d0, d1) -> (0, 0)>
module attributes {stable_mosaic.version = 14 : i64} {
  func.func @k(%arg0: i32, %arg1: i32, %arg2: memref<49152xi32, #tpu.memory_space<hbm>>, %arg3: memref<1000000x128xf32, #tpu.memory_space<hbm>>, %arg4: memref<1000x128xf32, #tpu.memory_space<hbm>>, %arg5: memref<16384xf32, #tpu.memory_space<hbm>>, %arg6: memref<1536xi32, #tpu.memory_space<vmem>>, %arg7: memref<2x128x128xf32, #tpu.memory_space<vmem>>, %arg8: memref<2x64x128xf32, #tpu.memory_space<vmem>>, %arg9: memref<512xf32, #tpu.memory_space<vmem>>, %arg10: memref<!tpu.dma_semaphore, #tpu.memory_space<semaphore_mem>>, %arg11: memref<!tpu.dma_semaphore, #tpu.memory_space<semaphore_mem>>) attributes {dimension_semantics = [#tpu.dimension_semantics<core_parallel>, #tpu.dimension_semantics<subcore_parallel>], iteration_bounds = array<i64: 2, 16>, scalar_prefetch = 0 : i64, scratch_operands = 6 : i64, tpu.core_type = #tpu.core_type<sc_vector_subcore>, window_params = [{transform_indices = #map}, {transform_indices = #map1}, {transform_indices = #map1}, {transform_indices = #map}]} {
    %iota3A = tpu.iota {dimensions = array<i32: 0>} : vector<16xi32>
    %mul3A = arith.constant 2 : i32
    %mul3A_0 = arith.muli %arg1, %mul3A : i32
    %add3A = arith.addi %mul3A_0, %arg0 : i32
    %mul3A_1 = arith.constant 1536 : i32
    %mul3A_2 = arith.muli %add3A, %mul3A_1 : i32
    "tpu.region"() ({
      %run_scoped3A = tpu.sem_alloc : memref<!tpu.dma_semaphore, #tpu.memory_space<semaphore_mem>>
      %dma_start3A_45 = arith.constant 0 : i32
      %dma_start3A_46 = tpu.memref_slice %arg6[%dma_start3A_45] : memref<1536xi32, #tpu.memory_space<vmem>> -> memref<128xi32, #tpu.memory_space<vmem>>
      %dma_start3A_47 = tpu.memref_slice %arg2[%mul3A_2] : memref<49152xi32, #tpu.memory_space<hbm>> -> memref<128xi32, #tpu.memory_space<hbm>>
      %dma_start3A_48 = arith.constant 0 : i32
      %dma_start3A_49 = tpu.memref_slice %arg6[%dma_start3A_48] : memref<1536xi32, #tpu.memory_space<vmem>> -> memref<128xi32, #tpu.memory_space<vmem>>
      %dma_start3A_50 = tpu.memref_slice %arg2[%mul3A_2] : memref<49152xi32, #tpu.memory_space<hbm>> -> memref<128xi32, #tpu.memory_space<hbm>>
      tpu.enqueue_dma source(%dma_start3A_50 : memref<128xi32, #tpu.memory_space<hbm>>) target(%dma_start3A_49 : memref<128xi32, #tpu.memory_space<vmem>>) target_semaphore(%run_scoped3A : memref<!tpu.dma_semaphore, #tpu.memory_space<semaphore_mem>>)
      %dma_wait3A = arith.constant 0 : i32
      %dma_wait3A_51 = tpu.memref_slice %arg6[%dma_wait3A] : memref<1536xi32, #tpu.memory_space<vmem>> -> memref<128xi32, #tpu.memory_space<vmem>>
      %dma_wait3A_52 = tpu.memref_slice %arg2[%mul3A_2] : memref<49152xi32, #tpu.memory_space<hbm>> -> memref<128xi32, #tpu.memory_space<hbm>>
      %dma_wait3A_53 = arith.constant 0 : i32
      %dma_wait3A_54 = tpu.memref_slice %arg6[%dma_wait3A_53] : memref<1536xi32, #tpu.memory_space<vmem>> -> memref<128xi32, #tpu.memory_space<vmem>>
      %dma_wait3A_55 = tpu.memref_slice %arg2[%mul3A_2] : memref<49152xi32, #tpu.memory_space<hbm>> -> memref<128xi32, #tpu.memory_space<hbm>>
      tpu.wait_dma2 semaphore(%run_scoped3A : memref<!tpu.dma_semaphore, #tpu.memory_space<semaphore_mem>>) src(%dma_wait3A_55 : memref<128xi32, #tpu.memory_space<hbm>>) dst(%dma_wait3A_54 : memref<128xi32, #tpu.memory_space<vmem>>)
      tpu.yield
    }) : () -> ()
    %dma_start3A = arith.constant 0 : i32
    %dma_start3A_3 = arith.constant 0 : i32
    %dma_start3A_4 = arith.constant 0 : i32
    %dma_start3A_5 = tpu.memref_slice %arg7[%dma_start3A, %dma_start3A_3, %dma_start3A_4] : memref<2x128x128xf32, #tpu.memory_space<vmem>> -> memref<1x128x128xf32, #tpu.memory_space<vmem>>
    %dma_start3A_6 = tpu.memref_squeeze %dma_start3A_5 : memref<1x128x128xf32, #tpu.memory_space<vmem>> -> memref<128x128xf32, #tpu.memory_space<vmem>>
    %dma_start3A_7 = arith.constant 0 : i32
    %dma_start3A_8 = tpu.memref_slice %arg6[%dma_start3A_7] : memref<1536xi32, #tpu.memory_space<vmem>> -> memref<128xi32, #tpu.memory_space<vmem>>
    %dma_start3A_9 = arith.constant 0 : i32
    %dma_start3A_10 = arith.constant 0 : i32
    %dma_start3A_11 = tpu.memref_slice %arg3[%dma_start3A_9, %dma_start3A_10] : memref<1000000x128xf32, #tpu.memory_space<hbm>> -> memref<1000000x128xf32, #tpu.memory_space<hbm>>
    tpu.enqueue_indirect_dma source(%dma_start3A_11 : memref<1000000x128xf32, #tpu.memory_space<hbm>>) target(%dma_start3A_6 : memref<128x128xf32, #tpu.memory_space<vmem>>) offsets(%dma_start3A_8 : memref<128xi32, #tpu.memory_space<vmem>>) semaphore(%arg10 : memref<!tpu.dma_semaphore, #tpu.memory_space<semaphore_mem>>)
    %mul3A_12 = arith.constant 1536 : i32
    %mul3A_13 = arith.muli %add3A, %mul3A_12 : i32
    %add3A_14 = arith.constant 128 : i32
    %add3A_15 = arith.addi %mul3A_13, %add3A_14 : i32
    "tpu.region"() ({
      %run_scoped3A = tpu.sem_alloc : memref<!tpu.dma_semaphore, #tpu.memory_space<semaphore_mem>>
      %dma_start3A_45 = arith.constant 128 : i32
      %dma_start3A_46 = tpu.memref_slice %arg6[%dma_start3A_45] : memref<1536xi32, #tpu.memory_space<vmem>> -> memref<1408xi32, #tpu.memory_space<vmem>>
      %dma_start3A_47 = tpu.memref_slice %arg2[%add3A_15] : memref<49152xi32, #tpu.memory_space<hbm>> -> memref<1408xi32, #tpu.memory_space<hbm>>
      %dma_start3A_48 = arith.constant 128 : i32
      %dma_start3A_49 = tpu.memref_slice %arg6[%dma_start3A_48] : memref<1536xi32, #tpu.memory_space<vmem>> -> memref<1408xi32, #tpu.memory_space<vmem>>
      %dma_start3A_50 = tpu.memref_slice %arg2[%add3A_15] : memref<49152xi32, #tpu.memory_space<hbm>> -> memref<1408xi32, #tpu.memory_space<hbm>>
      tpu.enqueue_dma source(%dma_start3A_50 : memref<1408xi32, #tpu.memory_space<hbm>>) target(%dma_start3A_49 : memref<1408xi32, #tpu.memory_space<vmem>>) target_semaphore(%run_scoped3A : memref<!tpu.dma_semaphore, #tpu.memory_space<semaphore_mem>>)
      %dma_wait3A = arith.constant 128 : i32
      %dma_wait3A_51 = tpu.memref_slice %arg6[%dma_wait3A] : memref<1536xi32, #tpu.memory_space<vmem>> -> memref<1408xi32, #tpu.memory_space<vmem>>
      %dma_wait3A_52 = tpu.memref_slice %arg2[%add3A_15] : memref<49152xi32, #tpu.memory_space<hbm>> -> memref<1408xi32, #tpu.memory_space<hbm>>
      %dma_wait3A_53 = arith.constant 128 : i32
      %dma_wait3A_54 = tpu.memref_slice %arg6[%dma_wait3A_53] : memref<1536xi32, #tpu.memory_space<vmem>> -> memref<1408xi32, #tpu.memory_space<vmem>>
      %dma_wait3A_55 = tpu.memref_slice %arg2[%add3A_15] : memref<49152xi32, #tpu.memory_space<hbm>> -> memref<1408xi32, #tpu.memory_space<hbm>>
      tpu.wait_dma2 semaphore(%run_scoped3A : memref<!tpu.dma_semaphore, #tpu.memory_space<semaphore_mem>>) src(%dma_wait3A_55 : memref<1408xi32, #tpu.memory_space<hbm>>) dst(%dma_wait3A_54 : memref<1408xi32, #tpu.memory_space<vmem>>)
      tpu.yield
    }) : () -> ()
    %xor3A = arith.constant 8 : i32
    %xor3A_16 = vector.broadcast %xor3A : i32 to vector<16xi32>
    %xor3A_17 = arith.xori %iota3A, %xor3A_16 : vector<16xi32>
    %xor3A_18 = arith.constant 4 : i32
    %xor3A_19 = vector.broadcast %xor3A_18 : i32 to vector<16xi32>
    %xor3A_20 = arith.xori %iota3A, %xor3A_19 : vector<16xi32>
    %xor3A_21 = arith.constant 2 : i32
    %xor3A_22 = vector.broadcast %xor3A_21 : i32 to vector<16xi32>
    %xor3A_23 = arith.xori %iota3A, %xor3A_22 : vector<16xi32>
    %xor3A_24 = arith.constant 1 : i32
    %xor3A_25 = vector.broadcast %xor3A_24 : i32 to vector<16xi32>
    %xor3A_26 = arith.xori %iota3A, %xor3A_25 : vector<16xi32>
    %dma_start3A_27 = arith.constant 0 : i32
    %dma_start3A_28 = arith.constant 0 : i32
    %dma_start3A_29 = arith.constant 0 : i32
    %dma_start3A_30 = tpu.memref_slice %arg8[%dma_start3A_27, %dma_start3A_28, %dma_start3A_29] : memref<2x64x128xf32, #tpu.memory_space<vmem>> -> memref<1x64x128xf32, #tpu.memory_space<vmem>>
    %dma_start3A_31 = tpu.memref_squeeze %dma_start3A_30 : memref<1x64x128xf32, #tpu.memory_space<vmem>> -> memref<64x128xf32, #tpu.memory_space<vmem>>
    %dma_start3A_32 = arith.constant 1024 : i32
    %dma_start3A_33 = tpu.memref_slice %arg6[%dma_start3A_32] : memref<1536xi32, #tpu.memory_space<vmem>> -> memref<64xi32, #tpu.memory_space<vmem>>
    %dma_start3A_34 = arith.constant 0 : i32
    %dma_start3A_35 = arith.constant 0 : i32
    %dma_start3A_36 = tpu.memref_slice %arg4[%dma_start3A_34, %dma_start3A_35] : memref<1000x128xf32, #tpu.memory_space<hbm>> -> memref<1000x128xf32, #tpu.memory_space<hbm>>
    tpu.enqueue_indirect_dma source(%dma_start3A_36 : memref<1000x128xf32, #tpu.memory_space<hbm>>) target(%dma_start3A_31 : memref<64x128xf32, #tpu.memory_space<vmem>>) offsets(%dma_start3A_33 : memref<64xi32, #tpu.memory_space<vmem>>) semaphore(%arg10 : memref<!tpu.dma_semaphore, #tpu.memory_space<semaphore_mem>>)
    %scan3A = arith.constant 0 : i32
    %scan3A_37 = arith.constant 0 : i32
    %scan3A_38 = arith.constant 8 : i32
    %scan3A_39 = arith.addi %scan3A_37, %scan3A_38 : i32
    %scan3A_40 = arith.constant 1 : i32
    %scan3A_41 = scf.for %scan3A_45 = %scan3A_37 to %scan3A_39 step %scan3A_40 iter_args(%scan3A_46 = %scan3A) -> (i32)  : i32 {
      %jit3A = arith.constant 2 : i32
      %eq3A = arith.constant 0 : i32
      %eq3A_47 = arith.cmpi eq, %jit3A, %eq3A : i32
      %jit3A_48 = arith.constant 1 : i32
      %select_n3A = arith.select %eq3A_47, %jit3A_48, %jit3A : i32
      %rem3A = arith.remsi %scan3A_45, %select_n3A : i32
      %ne3A = arith.constant 0 : i32
      %ne3A_49 = arith.cmpi ne, %rem3A, %ne3A : i32
      %lt3A = arith.constant 0 : i32
      %lt3A_50 = arith.cmpi slt, %rem3A, %lt3A : i32
      %lt3A_51 = arith.constant 0 : i32
      %lt3A_52 = arith.cmpi slt, %select_n3A, %lt3A_51 : i32
      %ne3A_53 = arith.xori %lt3A_50, %lt3A_52 : i1
      %and3A = arith.andi %ne3A_53, %ne3A_49 : i1
      %add3A_54 = arith.addi %rem3A, %select_n3A : i32
      %select_n3A_55 = arith.select %and3A, %add3A_54, %rem3A : i32
      %eq3A_56 = arith.constant 0 : i32
      %eq3A_57 = arith.cmpi eq, %select_n3A_55, %eq3A_56 : i32
      %convert_element_type3A = arith.extui %eq3A_57 : i1 to i32
      %cond3A = arith.constant 0 : i32
      %cond3A_58 = arith.cmpi ne, %convert_element_type3A, %cond3A : i32
      scf.if %cond3A_58 {
        %mul3A_72 = arith.constant 2 : i32
        %mul3A_73 = arith.muli %mul3A_72, %scan3A_45 : i32
        %mul3A_74 = arith.constant 64 : i32
        %mul3A_75 = arith.muli %mul3A_73, %mul3A_74 : i32
        %dma_wait3A = arith.constant 0 : i32
        %dma_wait3A_76 = arith.constant 0 : i32
        %dma_wait3A_77 = arith.constant 0 : i32
        %dma_wait3A_78 = tpu.memref_slice %arg7[%dma_wait3A, %dma_wait3A_76, %dma_wait3A_77] : memref<2x128x128xf32, #tpu.memory_space<vmem>> -> memref<1x128x128xf32, #tpu.memory_space<vmem>>
        %dma_wait3A_79 = tpu.memref_squeeze %dma_wait3A_78 : memref<1x128x128xf32, #tpu.memory_space<vmem>> -> memref<128x128xf32, #tpu.memory_space<vmem>>
        %dma_wait3A_80 = tpu.memref_slice %arg6[%mul3A_75] : memref<1536xi32, #tpu.memory_space<vmem>> -> memref<128xi32, #tpu.memory_space<vmem>>
        %dma_wait3A_81 = arith.constant 0 : i32
        %dma_wait3A_82 = arith.constant 0 : i32
        %dma_wait3A_83 = tpu.memref_slice %arg3[%dma_wait3A_81, %dma_wait3A_82] : memref<1000000x128xf32, #tpu.memory_space<hbm>> -> memref<1000000x128xf32, #tpu.memory_space<hbm>>
        tpu.wait_indirect_dma semaphore(%arg10 : memref<!tpu.dma_semaphore, #tpu.memory_space<semaphore_mem>>) src(%dma_wait3A_83 : memref<1000000x128xf32, #tpu.memory_space<hbm>>) dst(%dma_wait3A_79 : memref<128x128xf32, #tpu.memory_space<vmem>>)
        %mul3A_84 = arith.constant 64 : i32
        %mul3A_85 = arith.muli %scan3A_45, %mul3A_84 : i32
        %add3A_86 = arith.constant 1024 : i32
        %add3A_87 = arith.addi %add3A_86, %mul3A_85 : i32
        %dma_wait3A_88 = arith.constant 0 : i32
        %dma_wait3A_89 = arith.constant 0 : i32
        %dma_wait3A_90 = arith.constant 0 : i32
        %dma_wait3A_91 = tpu.memref_slice %arg8[%dma_wait3A_88, %dma_wait3A_89, %dma_wait3A_90] : memref<2x64x128xf32, #tpu.memory_space<vmem>> -> memref<1x64x128xf32, #tpu.memory_space<vmem>>
        %dma_wait3A_92 = tpu.memref_squeeze %dma_wait3A_91 : memref<1x64x128xf32, #tpu.memory_space<vmem>> -> memref<64x128xf32, #tpu.memory_space<vmem>>
        %dma_wait3A_93 = tpu.memref_slice %arg6[%add3A_87] : memref<1536xi32, #tpu.memory_space<vmem>> -> memref<64xi32, #tpu.memory_space<vmem>>
        %dma_wait3A_94 = arith.constant 0 : i32
        %dma_wait3A_95 = arith.constant 0 : i32
        %dma_wait3A_96 = tpu.memref_slice %arg4[%dma_wait3A_94, %dma_wait3A_95] : memref<1000x128xf32, #tpu.memory_space<hbm>> -> memref<1000x128xf32, #tpu.memory_space<hbm>>
        tpu.wait_indirect_dma semaphore(%arg10 : memref<!tpu.dma_semaphore, #tpu.memory_space<semaphore_mem>>) src(%dma_wait3A_96 : memref<1000x128xf32, #tpu.memory_space<hbm>>) dst(%dma_wait3A_92 : memref<64x128xf32, #tpu.memory_space<vmem>>)
        %add3A_97 = arith.constant 1 : i32
        %add3A_98 = arith.addi %scan3A_45, %add3A_97 : i32
        %lt3A_99 = arith.constant 8 : i32
        %lt3A_100 = arith.cmpi slt, %add3A_98, %lt3A_99 : i32
        %convert_element_type3A_101 = arith.extui %lt3A_100 : i1 to i32
        %cond3A_102 = arith.constant 0 : i32
        %cond3A_103 = arith.cmpi ne, %convert_element_type3A_101, %cond3A_102 : i32
        scf.if %cond3A_103 {
          %add3A_104 = arith.constant 1 : i32
          %add3A_105 = arith.addi %scan3A_45, %add3A_104 : i32
          %mul3A_106 = arith.constant 2 : i32
          %mul3A_107 = arith.muli %mul3A_106, %add3A_105 : i32
          %mul3A_108 = arith.constant 64 : i32
          %mul3A_109 = arith.muli %mul3A_107, %mul3A_108 : i32
          %dma_start3A_110 = arith.constant 1 : i32
          %dma_start3A_111 = arith.constant 0 : i32
          %dma_start3A_112 = arith.constant 0 : i32
          %dma_start3A_113 = tpu.memref_slice %arg7[%dma_start3A_110, %dma_start3A_111, %dma_start3A_112] : memref<2x128x128xf32, #tpu.memory_space<vmem>> -> memref<1x128x128xf32, #tpu.memory_space<vmem>>
          %dma_start3A_114 = tpu.memref_squeeze %dma_start3A_113 : memref<1x128x128xf32, #tpu.memory_space<vmem>> -> memref<128x128xf32, #tpu.memory_space<vmem>>
          %dma_start3A_115 = tpu.memref_slice %arg6[%mul3A_109] : memref<1536xi32, #tpu.memory_space<vmem>> -> memref<128xi32, #tpu.memory_space<vmem>>
          %dma_start3A_116 = arith.constant 0 : i32
          %dma_start3A_117 = arith.constant 0 : i32
          %dma_start3A_118 = tpu.memref_slice %arg3[%dma_start3A_116, %dma_start3A_117] : memref<1000000x128xf32, #tpu.memory_space<hbm>> -> memref<1000000x128xf32, #tpu.memory_space<hbm>>
          tpu.enqueue_indirect_dma source(%dma_start3A_118 : memref<1000000x128xf32, #tpu.memory_space<hbm>>) target(%dma_start3A_114 : memref<128x128xf32, #tpu.memory_space<vmem>>) offsets(%dma_start3A_115 : memref<128xi32, #tpu.memory_space<vmem>>) semaphore(%arg11 : memref<!tpu.dma_semaphore, #tpu.memory_space<semaphore_mem>>)
          %mul3A_119 = arith.constant 64 : i32
          %mul3A_120 = arith.muli %add3A_105, %mul3A_119 : i32
          %add3A_121 = arith.constant 1024 : i32
          %add3A_122 = arith.addi %add3A_121, %mul3A_120 : i32
          %dma_start3A_123 = arith.constant 1 : i32
          %dma_start3A_124 = arith.constant 0 : i32
          %dma_start3A_125 = arith.constant 0 : i32
          %dma_start3A_126 = tpu.memref_slice %arg8[%dma_start3A_123, %dma_start3A_124, %dma_start3A_125] : memref<2x64x128xf32, #tpu.memory_space<vmem>> -> memref<1x64x128xf32, #tpu.memory_space<vmem>>
          %dma_start3A_127 = tpu.memref_squeeze %dma_start3A_126 : memref<1x64x128xf32, #tpu.memory_space<vmem>> -> memref<64x128xf32, #tpu.memory_space<vmem>>
          %dma_start3A_128 = tpu.memref_slice %arg6[%add3A_122] : memref<1536xi32, #tpu.memory_space<vmem>> -> memref<64xi32, #tpu.memory_space<vmem>>
          %dma_start3A_129 = arith.constant 0 : i32
          %dma_start3A_130 = arith.constant 0 : i32
          %dma_start3A_131 = tpu.memref_slice %arg4[%dma_start3A_129, %dma_start3A_130] : memref<1000x128xf32, #tpu.memory_space<hbm>> -> memref<1000x128xf32, #tpu.memory_space<hbm>>
          tpu.enqueue_indirect_dma source(%dma_start3A_131 : memref<1000x128xf32, #tpu.memory_space<hbm>>) target(%dma_start3A_127 : memref<64x128xf32, #tpu.memory_space<vmem>>) offsets(%dma_start3A_128 : memref<64xi32, #tpu.memory_space<vmem>>) semaphore(%arg11 : memref<!tpu.dma_semaphore, #tpu.memory_space<semaphore_mem>>)
        } else {
        }
      } else {
      }
      %eq3A_59 = arith.constant 1 : i32
      %eq3A_60 = arith.cmpi eq, %select_n3A_55, %eq3A_59 : i32
      %convert_element_type3A_61 = arith.extui %eq3A_60 : i1 to i32
      %cond3A_62 = arith.constant 0 : i32
      %cond3A_63 = arith.cmpi ne, %convert_element_type3A_61, %cond3A_62 : i32
      scf.if %cond3A_63 {
        %mul3A_72 = arith.constant 2 : i32
        %mul3A_73 = arith.muli %mul3A_72, %scan3A_45 : i32
        %mul3A_74 = arith.constant 64 : i32
        %mul3A_75 = arith.muli %mul3A_73, %mul3A_74 : i32
        %dma_wait3A = arith.constant 1 : i32
        %dma_wait3A_76 = arith.constant 0 : i32
        %dma_wait3A_77 = arith.constant 0 : i32
        %dma_wait3A_78 = tpu.memref_slice %arg7[%dma_wait3A, %dma_wait3A_76, %dma_wait3A_77] : memref<2x128x128xf32, #tpu.memory_space<vmem>> -> memref<1x128x128xf32, #tpu.memory_space<vmem>>
        %dma_wait3A_79 = tpu.memref_squeeze %dma_wait3A_78 : memref<1x128x128xf32, #tpu.memory_space<vmem>> -> memref<128x128xf32, #tpu.memory_space<vmem>>
        %dma_wait3A_80 = tpu.memref_slice %arg6[%mul3A_75] : memref<1536xi32, #tpu.memory_space<vmem>> -> memref<128xi32, #tpu.memory_space<vmem>>
        %dma_wait3A_81 = arith.constant 0 : i32
        %dma_wait3A_82 = arith.constant 0 : i32
        %dma_wait3A_83 = tpu.memref_slice %arg3[%dma_wait3A_81, %dma_wait3A_82] : memref<1000000x128xf32, #tpu.memory_space<hbm>> -> memref<1000000x128xf32, #tpu.memory_space<hbm>>
        tpu.wait_indirect_dma semaphore(%arg11 : memref<!tpu.dma_semaphore, #tpu.memory_space<semaphore_mem>>) src(%dma_wait3A_83 : memref<1000000x128xf32, #tpu.memory_space<hbm>>) dst(%dma_wait3A_79 : memref<128x128xf32, #tpu.memory_space<vmem>>)
        %mul3A_84 = arith.constant 64 : i32
        %mul3A_85 = arith.muli %scan3A_45, %mul3A_84 : i32
        %add3A_86 = arith.constant 1024 : i32
        %add3A_87 = arith.addi %add3A_86, %mul3A_85 : i32
        %dma_wait3A_88 = arith.constant 1 : i32
        %dma_wait3A_89 = arith.constant 0 : i32
        %dma_wait3A_90 = arith.constant 0 : i32
        %dma_wait3A_91 = tpu.memref_slice %arg8[%dma_wait3A_88, %dma_wait3A_89, %dma_wait3A_90] : memref<2x64x128xf32, #tpu.memory_space<vmem>> -> memref<1x64x128xf32, #tpu.memory_space<vmem>>
        %dma_wait3A_92 = tpu.memref_squeeze %dma_wait3A_91 : memref<1x64x128xf32, #tpu.memory_space<vmem>> -> memref<64x128xf32, #tpu.memory_space<vmem>>
        %dma_wait3A_93 = tpu.memref_slice %arg6[%add3A_87] : memref<1536xi32, #tpu.memory_space<vmem>> -> memref<64xi32, #tpu.memory_space<vmem>>
        %dma_wait3A_94 = arith.constant 0 : i32
        %dma_wait3A_95 = arith.constant 0 : i32
        %dma_wait3A_96 = tpu.memref_slice %arg4[%dma_wait3A_94, %dma_wait3A_95] : memref<1000x128xf32, #tpu.memory_space<hbm>> -> memref<1000x128xf32, #tpu.memory_space<hbm>>
        tpu.wait_indirect_dma semaphore(%arg11 : memref<!tpu.dma_semaphore, #tpu.memory_space<semaphore_mem>>) src(%dma_wait3A_96 : memref<1000x128xf32, #tpu.memory_space<hbm>>) dst(%dma_wait3A_92 : memref<64x128xf32, #tpu.memory_space<vmem>>)
        %add3A_97 = arith.constant 1 : i32
        %add3A_98 = arith.addi %scan3A_45, %add3A_97 : i32
        %lt3A_99 = arith.constant 8 : i32
        %lt3A_100 = arith.cmpi slt, %add3A_98, %lt3A_99 : i32
        %convert_element_type3A_101 = arith.extui %lt3A_100 : i1 to i32
        %cond3A_102 = arith.constant 0 : i32
        %cond3A_103 = arith.cmpi ne, %convert_element_type3A_101, %cond3A_102 : i32
        scf.if %cond3A_103 {
          %add3A_104 = arith.constant 1 : i32
          %add3A_105 = arith.addi %scan3A_45, %add3A_104 : i32
          %mul3A_106 = arith.constant 2 : i32
          %mul3A_107 = arith.muli %mul3A_106, %add3A_105 : i32
          %mul3A_108 = arith.constant 64 : i32
          %mul3A_109 = arith.muli %mul3A_107, %mul3A_108 : i32
          %dma_start3A_110 = arith.constant 0 : i32
          %dma_start3A_111 = arith.constant 0 : i32
          %dma_start3A_112 = arith.constant 0 : i32
          %dma_start3A_113 = tpu.memref_slice %arg7[%dma_start3A_110, %dma_start3A_111, %dma_start3A_112] : memref<2x128x128xf32, #tpu.memory_space<vmem>> -> memref<1x128x128xf32, #tpu.memory_space<vmem>>
          %dma_start3A_114 = tpu.memref_squeeze %dma_start3A_113 : memref<1x128x128xf32, #tpu.memory_space<vmem>> -> memref<128x128xf32, #tpu.memory_space<vmem>>
          %dma_start3A_115 = tpu.memref_slice %arg6[%mul3A_109] : memref<1536xi32, #tpu.memory_space<vmem>> -> memref<128xi32, #tpu.memory_space<vmem>>
          %dma_start3A_116 = arith.constant 0 : i32
          %dma_start3A_117 = arith.constant 0 : i32
          %dma_start3A_118 = tpu.memref_slice %arg3[%dma_start3A_116, %dma_start3A_117] : memref<1000000x128xf32, #tpu.memory_space<hbm>> -> memref<1000000x128xf32, #tpu.memory_space<hbm>>
          tpu.enqueue_indirect_dma source(%dma_start3A_118 : memref<1000000x128xf32, #tpu.memory_space<hbm>>) target(%dma_start3A_114 : memref<128x128xf32, #tpu.memory_space<vmem>>) offsets(%dma_start3A_115 : memref<128xi32, #tpu.memory_space<vmem>>) semaphore(%arg10 : memref<!tpu.dma_semaphore, #tpu.memory_space<semaphore_mem>>)
          %mul3A_119 = arith.constant 64 : i32
          %mul3A_120 = arith.muli %add3A_105, %mul3A_119 : i32
          %add3A_121 = arith.constant 1024 : i32
          %add3A_122 = arith.addi %add3A_121, %mul3A_120 : i32
          %dma_start3A_123 = arith.constant 0 : i32
          %dma_start3A_124 = arith.constant 0 : i32
          %dma_start3A_125 = arith.constant 0 : i32
          %dma_start3A_126 = tpu.memref_slice %arg8[%dma_start3A_123, %dma_start3A_124, %dma_start3A_125] : memref<2x64x128xf32, #tpu.memory_space<vmem>> -> memref<1x64x128xf32, #tpu.memory_space<vmem>>
          %dma_start3A_127 = tpu.memref_squeeze %dma_start3A_126 : memref<1x64x128xf32, #tpu.memory_space<vmem>> -> memref<64x128xf32, #tpu.memory_space<vmem>>
          %dma_start3A_128 = tpu.memref_slice %arg6[%add3A_122] : memref<1536xi32, #tpu.memory_space<vmem>> -> memref<64xi32, #tpu.memory_space<vmem>>
          %dma_start3A_129 = arith.constant 0 : i32
          %dma_start3A_130 = arith.constant 0 : i32
          %dma_start3A_131 = tpu.memref_slice %arg4[%dma_start3A_129, %dma_start3A_130] : memref<1000x128xf32, #tpu.memory_space<hbm>> -> memref<1000x128xf32, #tpu.memory_space<hbm>>
          tpu.enqueue_indirect_dma source(%dma_start3A_131 : memref<1000x128xf32, #tpu.memory_space<hbm>>) target(%dma_start3A_127 : memref<64x128xf32, #tpu.memory_space<vmem>>) offsets(%dma_start3A_128 : memref<64xi32, #tpu.memory_space<vmem>>) semaphore(%arg10 : memref<!tpu.dma_semaphore, #tpu.memory_space<semaphore_mem>>)
        } else {
        }
      } else {
      }
      %broadcast_in_dim3A = arith.constant 0.000000e+00 : f32
      %broadcast_in_dim3A_64 = vector.broadcast %broadcast_in_dim3A : f32 to vector<16xf32>
      %scan3A_65 = arith.constant 0 : i32
      %scan3A_66 = arith.constant 16 : i32
      %scan3A_67 = arith.addi %scan3A_65, %scan3A_66 : i32
      %scan3A_68 = arith.constant 1 : i32
      %scan3A_69 = scf.for %scan3A_72 = %scan3A_65 to %scan3A_67 step %scan3A_68 iter_args(%scan3A_73 = %broadcast_in_dim3A_64) -> (vector<16xf32>)  : i32 {
        %jit3A_74 = arith.constant 4 : i32
        %eq3A_75 = arith.constant 0 : i32
        %eq3A_76 = arith.cmpi eq, %jit3A_74, %eq3A_75 : i32
        %jit3A_77 = arith.constant 1 : i32
        %select_n3A_78 = arith.select %eq3A_76, %jit3A_77, %jit3A_74 : i32
        %rem3A_79 = arith.remsi %scan3A_72, %select_n3A_78 : i32
        %ne3A_80 = arith.constant 0 : i32
        %ne3A_81 = arith.cmpi ne, %rem3A_79, %ne3A_80 : i32
        %lt3A_82 = arith.constant 0 : i32
        %lt3A_83 = arith.cmpi slt, %rem3A_79, %lt3A_82 : i32
        %lt3A_84 = arith.constant 0 : i32
        %lt3A_85 = arith.cmpi slt, %select_n3A_78, %lt3A_84 : i32
        %ne3A_86 = arith.xori %lt3A_83, %lt3A_85 : i1
        %and3A_87 = arith.andi %ne3A_86, %ne3A_81 : i1
        %add3A_88 = arith.addi %rem3A_79, %select_n3A_78 : i32
        %select_n3A_89 = arith.select %and3A_87, %add3A_88, %rem3A_79 : i32
        %mul3A_90 = arith.constant 4 : i32
        %mul3A_91 = arith.muli %select_n3A_89, %mul3A_90 : i32
        %mul3A_92 = arith.constant 4 : i32
        %mul3A_93 = arith.muli %scan3A_72, %mul3A_92 : i32
        %add3A_94 = arith.constant 0 : i32
        %add3A_95 = arith.addi %mul3A_93, %add3A_94 : i32
        %broadcast_in_dim3A_96 = arith.constant 0.000000e+00 : f32
        %broadcast_in_dim3A_97 = vector.broadcast %broadcast_in_dim3A_96 : f32 to vector<16xf32>
        %get3A = arith.index_cast %select_n3A_55 : i32 to index
        %get3A_98 = arith.index_cast %add3A_95 : i32 to index
        %get3A_99 = arith.constant 0 : index
        %get3A_100 = tpu.vector_load %arg7[%get3A, %get3A_98, %get3A_99] {strides = array<i32>} : memref<2x128x128xf32, #tpu.memory_space<vmem>>, vector<1x1x16xf32>,
        %get3A_101 = vector.shape_cast %get3A_100 : vector<1x1x16xf32> to vector<16xf32>
        %add3A_102 = arith.constant 64 : i32
        %add3A_103 = arith.addi %add3A_102, %add3A_95 : i32
        %get3A_104 = arith.index_cast %select_n3A_55 : i32 to index
        %get3A_105 = arith.index_cast %add3A_103 : i32 to index
        %get3A_106 = arith.constant 0 : index
        %get3A_107 = tpu.vector_load %arg7[%get3A_104, %get3A_105, %get3A_106] {strides = array<i32>} : memref<2x128x128xf32, #tpu.memory_space<vmem>>, vector<1x1x16xf32>,
        %get3A_108 = vector.shape_cast %get3A_107 : vector<1x1x16xf32> to vector<16xf32>
        %get3A_109 = arith.index_cast %select_n3A_55 : i32 to index
        %get3A_110 = arith.index_cast %add3A_95 : i32 to index
        %get3A_111 = arith.constant 0 : index
        %get3A_112 = tpu.vector_load %arg8[%get3A_109, %get3A_110, %get3A_111] {strides = array<i32>} : memref<2x64x128xf32, #tpu.memory_space<vmem>>, vector<1x1x16xf32>,
        %get3A_113 = vector.shape_cast %get3A_112 : vector<1x1x16xf32> to vector<16xf32>
        %add3A_114 = arith.addf %get3A_101, %get3A_113 : vector<16xf32>
        %sub3A = arith.subf %add3A_114, %get3A_108 : vector<16xf32>
        %abs3A = math.absf %sub3A : vector<16xf32>
        %add3A_115 = arith.addf %broadcast_in_dim3A_97, %abs3A : vector<16xf32>
        %get3A_116 = arith.index_cast %select_n3A_55 : i32 to index
        %get3A_117 = arith.index_cast %add3A_95 : i32 to index
        %get3A_118 = arith.constant 16 : index
        %get3A_119 = tpu.vector_load %arg7[%get3A_116, %get3A_117, %get3A_118] {strides = array<i32>} : memref<2x128x128xf32, #tpu.memory_space<vmem>>, vector<1x1x16xf32>,
        %get3A_120 = vector.shape_cast %get3A_119 : vector<1x1x16xf32> to vector<16xf32>
        %add3A_121 = arith.constant 64 : i32
        %add3A_122 = arith.addi %add3A_121, %add3A_95 : i32
        %get3A_123 = arith.index_cast %select_n3A_55 : i32 to index
        %get3A_124 = arith.index_cast %add3A_122 : i32 to index
        %get3A_125 = arith.constant 16 : index
        %get3A_126 = tpu.vector_load %arg7[%get3A_123, %get3A_124, %get3A_125] {strides = array<i32>} : memref<2x128x128xf32, #tpu.memory_space<vmem>>, vector<1x1x16xf32>,
        %get3A_127 = vector.shape_cast %get3A_126 : vector<1x1x16xf32> to vector<16xf32>
        %get3A_128 = arith.index_cast %select_n3A_55 : i32 to index
        %get3A_129 = arith.index_cast %add3A_95 : i32 to index
        %get3A_130 = arith.constant 16 : index
        %get3A_131 = tpu.vector_load %arg8[%get3A_128, %get3A_129, %get3A_130] {strides = array<i32>} : memref<2x64x128xf32, #tpu.memory_space<vmem>>, vector<1x1x16xf32>,
        %get3A_132 = vector.shape_cast %get3A_131 : vector<1x1x16xf32> to vector<16xf32>
        %add3A_133 = arith.addf %get3A_120, %get3A_132 : vector<16xf32>
        %sub3A_134 = arith.subf %add3A_133, %get3A_127 : vector<16xf32>
        %abs3A_135 = math.absf %sub3A_134 : vector<16xf32>
        %add3A_136 = arith.addf %add3A_115, %abs3A_135 : vector<16xf32>
        %get3A_137 = arith.index_cast %select_n3A_55 : i32 to index
        %get3A_138 = arith.index_cast %add3A_95 : i32 to index
        %get3A_139 = arith.constant 32 : index
        %get3A_140 = tpu.vector_load %arg7[%get3A_137, %get3A_138, %get3A_139] {strides = array<i32>} : memref<2x128x128xf32, #tpu.memory_space<vmem>>, vector<1x1x16xf32>,
        %get3A_141 = vector.shape_cast %get3A_140 : vector<1x1x16xf32> to vector<16xf32>
        %add3A_142 = arith.constant 64 : i32
        %add3A_143 = arith.addi %add3A_142, %add3A_95 : i32
        %get3A_144 = arith.index_cast %select_n3A_55 : i32 to index
        %get3A_145 = arith.index_cast %add3A_143 : i32 to index
        %get3A_146 = arith.constant 32 : index
        %get3A_147 = tpu.vector_load %arg7[%get3A_144, %get3A_145, %get3A_146] {strides = array<i32>} : memref<2x128x128xf32, #tpu.memory_space<vmem>>, vector<1x1x16xf32>,
        %get3A_148 = vector.shape_cast %get3A_147 : vector<1x1x16xf32> to vector<16xf32>
        %get3A_149 = arith.index_cast %select_n3A_55 : i32 to index
        %get3A_150 = arith.index_cast %add3A_95 : i32 to index
        %get3A_151 = arith.constant 32 : index
        %get3A_152 = tpu.vector_load %arg8[%get3A_149, %get3A_150, %get3A_151] {strides = array<i32>} : memref<2x64x128xf32, #tpu.memory_space<vmem>>, vector<1x1x16xf32>,
        %get3A_153 = vector.shape_cast %get3A_152 : vector<1x1x16xf32> to vector<16xf32>
        %add3A_154 = arith.addf %get3A_141, %get3A_153 : vector<16xf32>
        %sub3A_155 = arith.subf %add3A_154, %get3A_148 : vector<16xf32>
        %abs3A_156 = math.absf %sub3A_155 : vector<16xf32>
        %add3A_157 = arith.addf %add3A_136, %abs3A_156 : vector<16xf32>
        %get3A_158 = arith.index_cast %select_n3A_55 : i32 to index
        %get3A_159 = arith.index_cast %add3A_95 : i32 to index
        %get3A_160 = arith.constant 48 : index
        %get3A_161 = tpu.vector_load %arg7[%get3A_158, %get3A_159, %get3A_160] {strides = array<i32>} : memref<2x128x128xf32, #tpu.memory_space<vmem>>, vector<1x1x16xf32>,
        %get3A_162 = vector.shape_cast %get3A_161 : vector<1x1x16xf32> to vector<16xf32>
        %add3A_163 = arith.constant 64 : i32
        %add3A_164 = arith.addi %add3A_163, %add3A_95 : i32
        %get3A_165 = arith.index_cast %select_n3A_55 : i32 to index
        %get3A_166 = arith.index_cast %add3A_164 : i32 to index
        %get3A_167 = arith.constant 48 : index
        %get3A_168 = tpu.vector_load %arg7[%get3A_165, %get3A_166, %get3A_167] {strides = array<i32>} : memref<2x128x128xf32, #tpu.memory_space<vmem>>, vector<1x1x16xf32>,
        %get3A_169 = vector.shape_cast %get3A_168 : vector<1x1x16xf32> to vector<16xf32>
        %get3A_170 = arith.index_cast %select_n3A_55 : i32 to index
        %get3A_171 = arith.index_cast %add3A_95 : i32 to index
        %get3A_172 = arith.constant 48 : index
        %get3A_173 = tpu.vector_load %arg8[%get3A_170, %get3A_171, %get3A_172] {strides = array<i32>} : memref<2x64x128xf32, #tpu.memory_space<vmem>>, vector<1x1x16xf32>,
        %get3A_174 = vector.shape_cast %get3A_173 : vector<1x1x16xf32> to vector<16xf32>
        %add3A_175 = arith.addf %get3A_162, %get3A_174 : vector<16xf32>
        %sub3A_176 = arith.subf %add3A_175, %get3A_169 : vector<16xf32>
        %abs3A_177 = math.absf %sub3A_176 : vector<16xf32>
        %add3A_178 = arith.addf %add3A_157, %abs3A_177 : vector<16xf32>
        %get3A_179 = arith.index_cast %select_n3A_55 : i32 to index
        %get3A_180 = arith.index_cast %add3A_95 : i32 to index
        %get3A_181 = arith.constant 64 : index
        %get3A_182 = tpu.vector_load %arg7[%get3A_179, %get3A_180, %get3A_181] {strides = array<i32>} : memref<2x128x128xf32, #tpu.memory_space<vmem>>, vector<1x1x16xf32>,
        %get3A_183 = vector.shape_cast %get3A_182 : vector<1x1x16xf32> to vector<16xf32>
        %add3A_184 = arith.constant 64 : i32
        %add3A_185 = arith.addi %add3A_184, %add3A_95 : i32
        %get3A_186 = arith.index_cast %select_n3A_55 : i32 to index
        %get3A_187 = arith.index_cast %add3A_185 : i32 to index
        %get3A_188 = arith.constant 64 : index
        %get3A_189 = tpu.vector_load %arg7[%get3A_186, %get3A_187, %get3A_188] {strides = array<i32>} : memref<2x128x128xf32, #tpu.memory_space<vmem>>, vector<1x1x16xf32>,
        %get3A_190 = vector.shape_cast %get3A_189 : vector<1x1x16xf32> to vector<16xf32>
        %get3A_191 = arith.index_cast %select_n3A_55 : i32 to index
        %get3A_192 = arith.index_cast %add3A_95 : i32 to index
        %get3A_193 = arith.constant 64 : index
        %get3A_194 = tpu.vector_load %arg8[%get3A_191, %get3A_192, %get3A_193] {strides = array<i32>} : memref<2x64x128xf32, #tpu.memory_space<vmem>>, vector<1x1x16xf32>,
        %get3A_195 = vector.shape_cast %get3A_194 : vector<1x1x16xf32> to vector<16xf32>
        %add3A_196 = arith.addf %get3A_183, %get3A_195 : vector<16xf32>
        %sub3A_197 = arith.subf %add3A_196, %get3A_190 : vector<16xf32>
        %abs3A_198 = math.absf %sub3A_197 : vector<16xf32>
        %add3A_199 = arith.addf %add3A_178, %abs3A_198 : vector<16xf32>
        %get3A_200 = arith.index_cast %select_n3A_55 : i32 to index
        %get3A_201 = arith.index_cast %add3A_95 : i32 to index
        %get3A_202 = arith.constant 80 : index
        %get3A_203 = tpu.vector_load %arg7[%get3A_200, %get3A_201, %get3A_202] {strides = array<i32>} : memref<2x128x128xf32, #tpu.memory_space<vmem>>, vector<1x1x16xf32>,
        %get3A_204 = vector.shape_cast %get3A_203 : vector<1x1x16xf32> to vector<16xf32>
        %add3A_205 = arith.constant 64 : i32
        %add3A_206 = arith.addi %add3A_205, %add3A_95 : i32
        %get3A_207 = arith.index_cast %select_n3A_55 : i32 to index
        %get3A_208 = arith.index_cast %add3A_206 : i32 to index
        %get3A_209 = arith.constant 80 : index
        %get3A_210 = tpu.vector_load %arg7[%get3A_207, %get3A_208, %get3A_209] {strides = array<i32>} : memref<2x128x128xf32, #tpu.memory_space<vmem>>, vector<1x1x16xf32>,
        %get3A_211 = vector.shape_cast %get3A_210 : vector<1x1x16xf32> to vector<16xf32>
        %get3A_212 = arith.index_cast %select_n3A_55 : i32 to index
        %get3A_213 = arith.index_cast %add3A_95 : i32 to index
        %get3A_214 = arith.constant 80 : index
        %get3A_215 = tpu.vector_load %arg8[%get3A_212, %get3A_213, %get3A_214] {strides = array<i32>} : memref<2x64x128xf32, #tpu.memory_space<vmem>>, vector<1x1x16xf32>,
        %get3A_216 = vector.shape_cast %get3A_215 : vector<1x1x16xf32> to vector<16xf32>
        %add3A_217 = arith.addf %get3A_204, %get3A_216 : vector<16xf32>
        %sub3A_218 = arith.subf %add3A_217, %get3A_211 : vector<16xf32>
        %abs3A_219 = math.absf %sub3A_218 : vector<16xf32>
        %add3A_220 = arith.addf %add3A_199, %abs3A_219 : vector<16xf32>
        %get3A_221 = arith.index_cast %select_n3A_55 : i32 to index
        %get3A_222 = arith.index_cast %add3A_95 : i32 to index
        %get3A_223 = arith.constant 96 : index
        %get3A_224 = tpu.vector_load %arg7[%get3A_221, %get3A_222, %get3A_223] {strides = array<i32>} : memref<2x128x128xf32, #tpu.memory_space<vmem>>, vector<1x1x16xf32>,
        %get3A_225 = vector.shape_cast %get3A_224 : vector<1x1x16xf32> to vector<16xf32>
        %add3A_226 = arith.constant 64 : i32
        %add3A_227 = arith.addi %add3A_226, %add3A_95 : i32
        %get3A_228 = arith.index_cast %select_n3A_55 : i32 to index
        %get3A_229 = arith.index_cast %add3A_227 : i32 to index
        %get3A_230 = arith.constant 96 : index
        %get3A_231 = tpu.vector_load %arg7[%get3A_228, %get3A_229, %get3A_230] {strides = array<i32>} : memref<2x128x128xf32, #tpu.memory_space<vmem>>, vector<1x1x16xf32>,
        %get3A_232 = vector.shape_cast %get3A_231 : vector<1x1x16xf32> to vector<16xf32>
        %get3A_233 = arith.index_cast %select_n3A_55 : i32 to index
        %get3A_234 = arith.index_cast %add3A_95 : i32 to index
        %get3A_235 = arith.constant 96 : index
        %get3A_236 = tpu.vector_load %arg8[%get3A_233, %get3A_234, %get3A_235] {strides = array<i32>} : memref<2x64x128xf32, #tpu.memory_space<vmem>>, vector<1x1x16xf32>,
        %get3A_237 = vector.shape_cast %get3A_236 : vector<1x1x16xf32> to vector<16xf32>
        %add3A_238 = arith.addf %get3A_225, %get3A_237 : vector<16xf32>
        %sub3A_239 = arith.subf %add3A_238, %get3A_232 : vector<16xf32>
        %abs3A_240 = math.absf %sub3A_239 : vector<16xf32>
        %add3A_241 = arith.addf %add3A_220, %abs3A_240 : vector<16xf32>
        %get3A_242 = arith.index_cast %select_n3A_55 : i32 to index
        %get3A_243 = arith.index_cast %add3A_95 : i32 to index
        %get3A_244 = arith.constant 112 : index
        %get3A_245 = tpu.vector_load %arg7[%get3A_242, %get3A_243, %get3A_244] {strides = array<i32>} : memref<2x128x128xf32, #tpu.memory_space<vmem>>, vector<1x1x16xf32>,
        %get3A_246 = vector.shape_cast %get3A_245 : vector<1x1x16xf32> to vector<16xf32>
        %add3A_247 = arith.constant 64 : i32
        %add3A_248 = arith.addi %add3A_247, %add3A_95 : i32
        %get3A_249 = arith.index_cast %select_n3A_55 : i32 to index
        %get3A_250 = arith.index_cast %add3A_248 : i32 to index
        %get3A_251 = arith.constant 112 : index
        %get3A_252 = tpu.vector_load %arg7[%get3A_249, %get3A_250, %get3A_251] {strides = array<i32>} : memref<2x128x128xf32, #tpu.memory_space<vmem>>, vector<1x1x16xf32>,
        %get3A_253 = vector.shape_cast %get3A_252 : vector<1x1x16xf32> to vector<16xf32>
        %get3A_254 = arith.index_cast %select_n3A_55 : i32 to index
        %get3A_255 = arith.index_cast %add3A_95 : i32 to index
        %get3A_256 = arith.constant 112 : index
        %get3A_257 = tpu.vector_load %arg8[%get3A_254, %get3A_255, %get3A_256] {strides = array<i32>} : memref<2x64x128xf32, #tpu.memory_space<vmem>>, vector<1x1x16xf32>,
        %get3A_258 = vector.shape_cast %get3A_257 : vector<1x1x16xf32> to vector<16xf32>
        %add3A_259 = arith.addf %get3A_246, %get3A_258 : vector<16xf32>
        %sub3A_260 = arith.subf %add3A_259, %get3A_253 : vector<16xf32>
        %abs3A_261 = math.absf %sub3A_260 : vector<16xf32>
        %add3A_262 = arith.addf %add3A_241, %abs3A_261 : vector<16xf32>
        %broadcast_in_dim3A_263 = vector.shape_cast %xor3A_17 : vector<16xi32> to vector<16x1xi32>
        %gather3A = vector.shape_cast %broadcast_in_dim3A_263 : vector<16x1xi32> to vector<16xi32>
        %gather3A_264 = tpu.dynamic_gather %add3A_262[%gather3A] in [0] : vector<16xf32>, vector<16xi32> -> vector<16xf32>
        %add3A_265 = arith.addf %add3A_262, %gather3A_264 : vector<16xf32>
        %broadcast_in_dim3A_266 = vector.shape_cast %xor3A_20 : vector<16xi32> to vector<16x1xi32>
        %gather3A_267 = vector.shape_cast %broadcast_in_dim3A_266 : vector<16x1xi32> to vector<16xi32>
        %gather3A_268 = tpu.dynamic_gather %add3A_265[%gather3A_267] in [0] : vector<16xf32>, vector<16xi32> -> vector<16xf32>
        %add3A_269 = arith.addf %add3A_265, %gather3A_268 : vector<16xf32>
        %broadcast_in_dim3A_270 = vector.shape_cast %xor3A_23 : vector<16xi32> to vector<16x1xi32>
        %gather3A_271 = vector.shape_cast %broadcast_in_dim3A_270 : vector<16x1xi32> to vector<16xi32>
        %gather3A_272 = tpu.dynamic_gather %add3A_269[%gather3A_271] in [0] : vector<16xf32>, vector<16xi32> -> vector<16xf32>
        %add3A_273 = arith.addf %add3A_269, %gather3A_272 : vector<16xf32>
        %broadcast_in_dim3A_274 = vector.shape_cast %xor3A_26 : vector<16xi32> to vector<16x1xi32>
        %gather3A_275 = vector.shape_cast %broadcast_in_dim3A_274 : vector<16x1xi32> to vector<16xi32>
        %gather3A_276 = tpu.dynamic_gather %add3A_273[%gather3A_275] in [0] : vector<16xf32>, vector<16xi32> -> vector<16xf32>
        %add3A_277 = arith.addf %add3A_273, %gather3A_276 : vector<16xf32>
        %add3A_278 = arith.constant 0 : i32
        %add3A_279 = arith.addi %mul3A_91, %add3A_278 : i32
        %eq3A_280 = vector.broadcast %add3A_279 : i32 to vector<16xi32>
        %eq3A_281 = arith.cmpi eq, %iota3A, %eq3A_280 : vector<16xi32>
        %neg3A = arith.constant 0.000000e+00 : f32
        %neg3A_282 = vector.broadcast %neg3A : f32 to vector<16xf32>
        %neg3A_283 = arith.subf %neg3A_282, %add3A_277 : vector<16xf32>
        %select_n3A_284 = arith.select %eq3A_281, %neg3A_283, %scan3A_73 : vector<16xi1>, vector<16xf32>
        %mul3A_285 = arith.constant 4 : i32
        %mul3A_286 = arith.muli %scan3A_72, %mul3A_285 : i32
        %add3A_287 = arith.constant 1 : i32
        %add3A_288 = arith.addi %mul3A_286, %add3A_287 : i32
        %broadcast_in_dim3A_289 = arith.constant 0.000000e+00 : f32
        %broadcast_in_dim3A_290 = vector.broadcast %broadcast_in_dim3A_289 : f32 to vector<16xf32>
        %get3A_291 = arith.index_cast %select_n3A_55 : i32 to index
        %get3A_292 = arith.index_cast %add3A_288 : i32 to index
        %get3A_293 = arith.constant 0 : index
        %get3A_294 = tpu.vector_load %arg7[%get3A_291, %get3A_292, %get3A_293] {strides = array<i32>} : memref<2x128x128xf32, #tpu.memory_space<vmem>>, vector<1x1x16xf32>,
        %get3A_295 = vector.shape_cast %get3A_294 : vector<1x1x16xf32> to vector<16xf32>
        %add3A_296 = arith.constant 64 : i32
        %add3A_297 = arith.addi %add3A_296, %add3A_288 : i32
        %get3A_298 = arith.index_cast %select_n3A_55 : i32 to index
        %get3A_299 = arith.index_cast %add3A_297 : i32 to index
        %get3A_300 = arith.constant 0 : index
        %get3A_301 = tpu.vector_load %arg7[%get3A_298, %get3A_299, %get3A_300] {strides = array<i32>} : memref<2x128x128xf32, #tpu.memory_space<vmem>>, vector<1x1x16xf32>,
        %get3A_302 = vector.shape_cast %get3A_301 : vector<1x1x16xf32> to vector<16xf32>
        %get3A_303 = arith.index_cast %select_n3A_55 : i32 to index
        %get3A_304 = arith.index_cast %add3A_288 : i32 to index
        %get3A_305 = arith.constant 0 : index
        %get3A_306 = tpu.vector_load %arg8[%get3A_303, %get3A_304, %get3A_305] {strides = array<i32>} : memref<2x64x128xf32, #tpu.memory_space<vmem>>, vector<1x1x16xf32>,
        %get3A_307 = vector.shape_cast %get3A_306 : vector<1x1x16xf32> to vector<16xf32>
        %add3A_308 = arith.addf %get3A_295, %get3A_307 : vector<16xf32>
        %sub3A_309 = arith.subf %add3A_308, %get3A_302 : vector<16xf32>
        %abs3A_310 = math.absf %sub3A_309 : vector<16xf32>
        %add3A_311 = arith.addf %broadcast_in_dim3A_290, %abs3A_310 : vector<16xf32>
        %get3A_312 = arith.index_cast %select_n3A_55 : i32 to index
        %get3A_313 = arith.index_cast %add3A_288 : i32 to index
        %get3A_314 = arith.constant 16 : index
        %get3A_315 = tpu.vector_load %arg7[%get3A_312, %get3A_313, %get3A_314] {strides = array<i32>} : memref<2x128x128xf32, #tpu.memory_space<vmem>>, vector<1x1x16xf32>,
        %get3A_316 = vector.shape_cast %get3A_315 : vector<1x1x16xf32> to vector<16xf32>
        %add3A_317 = arith.constant 64 : i32
        %add3A_318 = arith.addi %add3A_317, %add3A_288 : i32
        %get3A_319 = arith.index_cast %select_n3A_55 : i32 to index
        %get3A_320 = arith.index_cast %add3A_318 : i32 to index
        %get3A_321 = arith.constant 16 : index
        %get3A_322 = tpu.vector_load %arg7[%get3A_319, %get3A_320, %get3A_321] {strides = array<i32>} : memref<2x128x128xf32, #tpu.memory_space<vmem>>, vector<1x1x16xf32>,
        %get3A_323 = vector.shape_cast %get3A_322 : vector<1x1x16xf32> to vector<16xf32>
        %get3A_324 = arith.index_cast %select_n3A_55 : i32 to index
        %get3A_325 = arith.index_cast %add3A_288 : i32 to index
        %get3A_326 = arith.constant 16 : index
        %get3A_327 = tpu.vector_load %arg8[%get3A_324, %get3A_325, %get3A_326] {strides = array<i32>} : memref<2x64x128xf32, #tpu.memory_space<vmem>>, vector<1x1x16xf32>,
        %get3A_328 = vector.shape_cast %get3A_327 : vector<1x1x16xf32> to vector<16xf32>
        %add3A_329 = arith.addf %get3A_316, %get3A_328 : vector<16xf32>
        %sub3A_330 = arith.subf %add3A_329, %get3A_323 : vector<16xf32>
        %abs3A_331 = math.absf %sub3A_330 : vector<16xf32>
        %add3A_332 = arith.addf %add3A_311, %abs3A_331 : vector<16xf32>
        %get3A_333 = arith.index_cast %select_n3A_55 : i32 to index
        %get3A_334 = arith.index_cast %add3A_288 : i32 to index
        %get3A_335 = arith.constant 32 : index
        %get3A_336 = tpu.vector_load %arg7[%get3A_333, %get3A_334, %get3A_335] {strides = array<i32>} : memref<2x128x128xf32, #tpu.memory_space<vmem>>, vector<1x1x16xf32>,
        %get3A_337 = vector.shape_cast %get3A_336 : vector<1x1x16xf32> to vector<16xf32>
        %add3A_338 = arith.constant 64 : i32
        %add3A_339 = arith.addi %add3A_338, %add3A_288 : i32
        %get3A_340 = arith.index_cast %select_n3A_55 : i32 to index
        %get3A_341 = arith.index_cast %add3A_339 : i32 to index
        %get3A_342 = arith.constant 32 : index
        %get3A_343 = tpu.vector_load %arg7[%get3A_340, %get3A_341, %get3A_342] {strides = array<i32>} : memref<2x128x128xf32, #tpu.memory_space<vmem>>, vector<1x1x16xf32>,
        %get3A_344 = vector.shape_cast %get3A_343 : vector<1x1x16xf32> to vector<16xf32>
        %get3A_345 = arith.index_cast %select_n3A_55 : i32 to index
        %get3A_346 = arith.index_cast %add3A_288 : i32 to index
        %get3A_347 = arith.constant 32 : index
        %get3A_348 = tpu.vector_load %arg8[%get3A_345, %get3A_346, %get3A_347] {strides = array<i32>} : memref<2x64x128xf32, #tpu.memory_space<vmem>>, vector<1x1x16xf32>,
        %get3A_349 = vector.shape_cast %get3A_348 : vector<1x1x16xf32> to vector<16xf32>
        %add3A_350 = arith.addf %get3A_337, %get3A_349 : vector<16xf32>
        %sub3A_351 = arith.subf %add3A_350, %get3A_344 : vector<16xf32>
        %abs3A_352 = math.absf %sub3A_351 : vector<16xf32>
        %add3A_353 = arith.addf %add3A_332, %abs3A_352 : vector<16xf32>
        %get3A_354 = arith.index_cast %select_n3A_55 : i32 to index
        %get3A_355 = arith.index_cast %add3A_288 : i32 to index
        %get3A_356 = arith.constant 48 : index
        %get3A_357 = tpu.vector_load %arg7[%get3A_354, %get3A_355, %get3A_356] {strides = array<i32>} : memref<2x128x128xf32, #tpu.memory_space<vmem>>, vector<1x1x16xf32>,
        %get3A_358 = vector.shape_cast %get3A_357 : vector<1x1x16xf32> to vector<16xf32>
        %add3A_359 = arith.constant 64 : i32
        %add3A_360 = arith.addi %add3A_359, %add3A_288 : i32
        %get3A_361 = arith.index_cast %select_n3A_55 : i32 to index
        %get3A_362 = arith.index_cast %add3A_360 : i32 to index
        %get3A_363 = arith.constant 48 : index
        %get3A_364 = tpu.vector_load %arg7[%get3A_361, %get3A_362, %get3A_363] {strides = array<i32>} : memref<2x128x128xf32, #tpu.memory_space<vmem>>, vector<1x1x16xf32>,
        %get3A_365 = vector.shape_cast %get3A_364 : vector<1x1x16xf32> to vector<16xf32>
        %get3A_366 = arith.index_cast %select_n3A_55 : i32 to index
        %get3A_367 = arith.index_cast %add3A_288 : i32 to index
        %get3A_368 = arith.constant 48 : index
        %get3A_369 = tpu.vector_load %arg8[%get3A_366, %get3A_367, %get3A_368] {strides = array<i32>} : memref<2x64x128xf32, #tpu.memory_space<vmem>>, vector<1x1x16xf32>,
        %get3A_370 = vector.shape_cast %get3A_369 : vector<1x1x16xf32> to vector<16xf32>
        %add3A_371 = arith.addf %get3A_358, %get3A_370 : vector<16xf32>
        %sub3A_372 = arith.subf %add3A_371, %get3A_365 : vector<16xf32>
        %abs3A_373 = math.absf %sub3A_372 : vector<16xf32>
        %add3A_374 = arith.addf %add3A_353, %abs3A_373 : vector<16xf32>
        %get3A_375 = arith.index_cast %select_n3A_55 : i32 to index
        %get3A_376 = arith.index_cast %add3A_288 : i32 to index
        %get3A_377 = arith.constant 64 : index
        %get3A_378 = tpu.vector_load %arg7[%get3A_375, %get3A_376, %get3A_377] {strides = array<i32>} : memref<2x128x128xf32, #tpu.memory_space<vmem>>, vector<1x1x16xf32>,
        %get3A_379 = vector.shape_cast %get3A_378 : vector<1x1x16xf32> to vector<16xf32>
        %add3A_380 = arith.constant 64 : i32
        %add3A_381 = arith.addi %add3A_380, %add3A_288 : i32
        %get3A_382 = arith.index_cast %select_n3A_55 : i32 to index
        %get3A_383 = arith.index_cast %add3A_381 : i32 to index
        %get3A_384 = arith.constant 64 : index
        %get3A_385 = tpu.vector_load %arg7[%get3A_382, %get3A_383, %get3A_384] {strides = array<i32>} : memref<2x128x128xf32, #tpu.memory_space<vmem>>, vector<1x1x16xf32>,
        %get3A_386 = vector.shape_cast %get3A_385 : vector<1x1x16xf32> to vector<16xf32>
        %get3A_387 = arith.index_cast %select_n3A_55 : i32 to index
        %get3A_388 = arith.index_cast %add3A_288 : i32 to index
        %get3A_389 = arith.constant 64 : index
        %get3A_390 = tpu.vector_load %arg8[%get3A_387, %get3A_388, %get3A_389] {strides = array<i32>} : memref<2x64x128xf32, #tpu.memory_space<vmem>>, vector<1x1x16xf32>,
        %get3A_391 = vector.shape_cast %get3A_390 : vector<1x1x16xf32> to vector<16xf32>
        %add3A_392 = arith.addf %get3A_379, %get3A_391 : vector<16xf32>
        %sub3A_393 = arith.subf %add3A_392, %get3A_386 : vector<16xf32>
        %abs3A_394 = math.absf %sub3A_393 : vector<16xf32>
        %add3A_395 = arith.addf %add3A_374, %abs3A_394 : vector<16xf32>
        %get3A_396 = arith.index_cast %select_n3A_55 : i32 to index
        %get3A_397 = arith.index_cast %add3A_288 : i32 to index
        %get3A_398 = arith.constant 80 : index
        %get3A_399 = tpu.vector_load %arg7[%get3A_396, %get3A_397, %get3A_398] {strides = array<i32>} : memref<2x128x128xf32, #tpu.memory_space<vmem>>, vector<1x1x16xf32>,
        %get3A_400 = vector.shape_cast %get3A_399 : vector<1x1x16xf32> to vector<16xf32>
        %add3A_401 = arith.constant 64 : i32
        %add3A_402 = arith.addi %add3A_401, %add3A_288 : i32
        %get3A_403 = arith.index_cast %select_n3A_55 : i32 to index
        %get3A_404 = arith.index_cast %add3A_402 : i32 to index
        %get3A_405 = arith.constant 80 : index
        %get3A_406 = tpu.vector_load %arg7[%get3A_403, %get3A_404, %get3A_405] {strides = array<i32>} : memref<2x128x128xf32, #tpu.memory_space<vmem>>, vector<1x1x16xf32>,
        %get3A_407 = vector.shape_cast %get3A_406 : vector<1x1x16xf32> to vector<16xf32>
        %get3A_408 = arith.index_cast %select_n3A_55 : i32 to index
        %get3A_409 = arith.index_cast %add3A_288 : i32 to index
        %get3A_410 = arith.constant 80 : index
        %get3A_411 = tpu.vector_load %arg8[%get3A_408, %get3A_409, %get3A_410] {strides = array<i32>} : memref<2x64x128xf32, #tpu.memory_space<vmem>>, vector<1x1x16xf32>,
        %get3A_412 = vector.shape_cast %get3A_411 : vector<1x1x16xf32> to vector<16xf32>
        %add3A_413 = arith.addf %get3A_400, %get3A_412 : vector<16xf32>
        %sub3A_414 = arith.subf %add3A_413, %get3A_407 : vector<16xf32>
        %abs3A_415 = math.absf %sub3A_414 : vector<16xf32>
        %add3A_416 = arith.addf %add3A_395, %abs3A_415 : vector<16xf32>
        %get3A_417 = arith.index_cast %select_n3A_55 : i32 to index
        %get3A_418 = arith.index_cast %add3A_288 : i32 to index
        %get3A_419 = arith.constant 96 : index
        %get3A_420 = tpu.vector_load %arg7[%get3A_417, %get3A_418, %get3A_419] {strides = array<i32>} : memref<2x128x128xf32, #tpu.memory_space<vmem>>, vector<1x1x16xf32>,
        %get3A_421 = vector.shape_cast %get3A_420 : vector<1x1x16xf32> to vector<16xf32>
        %add3A_422 = arith.constant 64 : i32
        %add3A_423 = arith.addi %add3A_422, %add3A_288 : i32
        %get3A_424 = arith.index_cast %select_n3A_55 : i32 to index
        %get3A_425 = arith.index_cast %add3A_423 : i32 to index
        %get3A_426 = arith.constant 96 : index
        %get3A_427 = tpu.vector_load %arg7[%get3A_424, %get3A_425, %get3A_426] {strides = array<i32>} : memref<2x128x128xf32, #tpu.memory_space<vmem>>, vector<1x1x16xf32>,
        %get3A_428 = vector.shape_cast %get3A_427 : vector<1x1x16xf32> to vector<16xf32>
        %get3A_429 = arith.index_cast %select_n3A_55 : i32 to index
        %get3A_430 = arith.index_cast %add3A_288 : i32 to index
        %get3A_431 = arith.constant 96 : index
        %get3A_432 = tpu.vector_load %arg8[%get3A_429, %get3A_430, %get3A_431] {strides = array<i32>} : memref<2x64x128xf32, #tpu.memory_space<vmem>>, vector<1x1x16xf32>,
        %get3A_433 = vector.shape_cast %get3A_432 : vector<1x1x16xf32> to vector<16xf32>
        %add3A_434 = arith.addf %get3A_421, %get3A_433 : vector<16xf32>
        %sub3A_435 = arith.subf %add3A_434, %get3A_428 : vector<16xf32>
        %abs3A_436 = math.absf %sub3A_435 : vector<16xf32>
        %add3A_437 = arith.addf %add3A_416, %abs3A_436 : vector<16xf32>
        %get3A_438 = arith.index_cast %select_n3A_55 : i32 to index
        %get3A_439 = arith.index_cast %add3A_288 : i32 to index
        %get3A_440 = arith.constant 112 : index
        %get3A_441 = tpu.vector_load %arg7[%get3A_438, %get3A_439, %get3A_440] {strides = array<i32>} : memref<2x128x128xf32, #tpu.memory_space<vmem>>, vector<1x1x16xf32>,
        %get3A_442 = vector.shape_cast %get3A_441 : vector<1x1x16xf32> to vector<16xf32>
        %add3A_443 = arith.constant 64 : i32
        %add3A_444 = arith.addi %add3A_443, %add3A_288 : i32
        %get3A_445 = arith.index_cast %select_n3A_55 : i32 to index
        %get3A_446 = arith.index_cast %add3A_444 : i32 to index
        %get3A_447 = arith.constant 112 : index
        %get3A_448 = tpu.vector_load %arg7[%get3A_445, %get3A_446, %get3A_447] {strides = array<i32>} : memref<2x128x128xf32, #tpu.memory_space<vmem>>, vector<1x1x16xf32>,
        %get3A_449 = vector.shape_cast %get3A_448 : vector<1x1x16xf32> to vector<16xf32>
        %get3A_450 = arith.index_cast %select_n3A_55 : i32 to index
        %get3A_451 = arith.index_cast %add3A_288 : i32 to index
        %get3A_452 = arith.constant 112 : index
        %get3A_453 = tpu.vector_load %arg8[%get3A_450, %get3A_451, %get3A_452] {strides = array<i32>} : memref<2x64x128xf32, #tpu.memory_space<vmem>>, vector<1x1x16xf32>,
        %get3A_454 = vector.shape_cast %get3A_453 : vector<1x1x16xf32> to vector<16xf32>
        %add3A_455 = arith.addf %get3A_442, %get3A_454 : vector<16xf32>
        %sub3A_456 = arith.subf %add3A_455, %get3A_449 : vector<16xf32>
        %abs3A_457 = math.absf %sub3A_456 : vector<16xf32>
        %add3A_458 = arith.addf %add3A_437, %abs3A_457 : vector<16xf32>
        %broadcast_in_dim3A_459 = vector.shape_cast %xor3A_17 : vector<16xi32> to vector<16x1xi32>
        %gather3A_460 = vector.shape_cast %broadcast_in_dim3A_459 : vector<16x1xi32> to vector<16xi32>
        %gather3A_461 = tpu.dynamic_gather %add3A_458[%gather3A_460] in [0] : vector<16xf32>, vector<16xi32> -> vector<16xf32>
        %add3A_462 = arith.addf %add3A_458, %gather3A_461 : vector<16xf32>
        %broadcast_in_dim3A_463 = vector.shape_cast %xor3A_20 : vector<16xi32> to vector<16x1xi32>
        %gather3A_464 = vector.shape_cast %broadcast_in_dim3A_463 : vector<16x1xi32> to vector<16xi32>
        %gather3A_465 = tpu.dynamic_gather %add3A_462[%gather3A_464] in [0] : vector<16xf32>, vector<16xi32> -> vector<16xf32>
        %add3A_466 = arith.addf %add3A_462, %gather3A_465 : vector<16xf32>
        %broadcast_in_dim3A_467 = vector.shape_cast %xor3A_23 : vector<16xi32> to vector<16x1xi32>
        %gather3A_468 = vector.shape_cast %broadcast_in_dim3A_467 : vector<16x1xi32> to vector<16xi32>
        %gather3A_469 = tpu.dynamic_gather %add3A_466[%gather3A_468] in [0] : vector<16xf32>, vector<16xi32> -> vector<16xf32>
        %add3A_470 = arith.addf %add3A_466, %gather3A_469 : vector<16xf32>
        %broadcast_in_dim3A_471 = vector.shape_cast %xor3A_26 : vector<16xi32> to vector<16x1xi32>
        %gather3A_472 = vector.shape_cast %broadcast_in_dim3A_471 : vector<16x1xi32> to vector<16xi32>
        %gather3A_473 = tpu.dynamic_gather %add3A_470[%gather3A_472] in [0] : vector<16xf32>, vector<16xi32> -> vector<16xf32>
        %add3A_474 = arith.addf %add3A_470, %gather3A_473 : vector<16xf32>
        %add3A_475 = arith.constant 1 : i32
        %add3A_476 = arith.addi %mul3A_91, %add3A_475 : i32
        %eq3A_477 = vector.broadcast %add3A_476 : i32 to vector<16xi32>
        %eq3A_478 = arith.cmpi eq, %iota3A, %eq3A_477 : vector<16xi32>
        %neg3A_479 = arith.constant 0.000000e+00 : f32
        %neg3A_480 = vector.broadcast %neg3A_479 : f32 to vector<16xf32>
        %neg3A_481 = arith.subf %neg3A_480, %add3A_474 : vector<16xf32>
        %select_n3A_482 = arith.select %eq3A_478, %neg3A_481, %select_n3A_284 : vector<16xi1>, vector<16xf32>
        %mul3A_483 = arith.constant 4 : i32
        %mul3A_484 = arith.muli %scan3A_72, %mul3A_483 : i32
        %add3A_485 = arith.constant 2 : i32
        %add3A_486 = arith.addi %mul3A_484, %add3A_485 : i32
        %broadcast_in_dim3A_487 = arith.constant 0.000000e+00 : f32
        %broadcast_in_dim3A_488 = vector.broadcast %broadcast_in_dim3A_487 : f32 to vector<16xf32>
        %get3A_489 = arith.index_cast %select_n3A_55 : i32 to index
        %get3A_490 = arith.index_cast %add3A_486 : i32 to index
        %get3A_491 = arith.constant 0 : index
        %get3A_492 = tpu.vector_load %arg7[%get3A_489, %get3A_490, %get3A_491] {strides = array<i32>} : memref<2x128x128xf32, #tpu.memory_space<vmem>>, vector<1x1x16xf32>,
        %get3A_493 = vector.shape_cast %get3A_492 : vector<1x1x16xf32> to vector<16xf32>
        %add3A_494 = arith.constant 64 : i32
        %add3A_495 = arith.addi %add3A_494, %add3A_486 : i32
        %get3A_496 = arith.index_cast %select_n3A_55 : i32 to index
        %get3A_497 = arith.index_cast %add3A_495 : i32 to index
        %get3A_498 = arith.constant 0 : index
        %get3A_499 = tpu.vector_load %arg7[%get3A_496, %get3A_497, %get3A_498] {strides = array<i32>} : memref<2x128x128xf32, #tpu.memory_space<vmem>>, vector<1x1x16xf32>,
        %get3A_500 = vector.shape_cast %get3A_499 : vector<1x1x16xf32> to vector<16xf32>
        %get3A_501 = arith.index_cast %select_n3A_55 : i32 to index
        %get3A_502 = arith.index_cast %add3A_486 : i32 to index
        %get3A_503 = arith.constant 0 : index
        %get3A_504 = tpu.vector_load %arg8[%get3A_501, %get3A_502, %get3A_503] {strides = array<i32>} : memref<2x64x128xf32, #tpu.memory_space<vmem>>, vector<1x1x16xf32>,
        %get3A_505 = vector.shape_cast %get3A_504 : vector<1x1x16xf32> to vector<16xf32>
        %add3A_506 = arith.addf %get3A_493, %get3A_505 : vector<16xf32>
        %sub3A_507 = arith.subf %add3A_506, %get3A_500 : vector<16xf32>
        %abs3A_508 = math.absf %sub3A_507 : vector<16xf32>
        %add3A_509 = arith.addf %broadcast_in_dim3A_488, %abs3A_508 : vector<16xf32>
        %get3A_510 = arith.index_cast %select_n3A_55 : i32 to index
        %get3A_511 = arith.index_cast %add3A_486 : i32 to index
        %get3A_512 = arith.constant 16 : index
        %get3A_513 = tpu.vector_load %arg7[%get3A_510, %get3A_511, %get3A_512] {strides = array<i32>} : memref<2x128x128xf32, #tpu.memory_space<vmem>>, vector<1x1x16xf32>,
        %get3A_514 = vector.shape_cast %get3A_513 : vector<1x1x16xf32> to vector<16xf32>
        %add3A_515 = arith.constant 64 : i32
        %add3A_516 = arith.addi %add3A_515, %add3A_486 : i32
        %get3A_517 = arith.index_cast %select_n3A_55 : i32 to index
        %get3A_518 = arith.index_cast %add3A_516 : i32 to index
        %get3A_519 = arith.constant 16 : index
        %get3A_520 = tpu.vector_load %arg7[%get3A_517, %get3A_518, %get3A_519] {strides = array<i32>} : memref<2x128x128xf32, #tpu.memory_space<vmem>>, vector<1x1x16xf32>,
        %get3A_521 = vector.shape_cast %get3A_520 : vector<1x1x16xf32> to vector<16xf32>
        %get3A_522 = arith.index_cast %select_n3A_55 : i32 to index
        %get3A_523 = arith.index_cast %add3A_486 : i32 to index
        %get3A_524 = arith.constant 16 : index
        %get3A_525 = tpu.vector_load %arg8[%get3A_522, %get3A_523, %get3A_524] {strides = array<i32>} : memref<2x64x128xf32, #tpu.memory_space<vmem>>, vector<1x1x16xf32>,
        %get3A_526 = vector.shape_cast %get3A_525 : vector<1x1x16xf32> to vector<16xf32>
        %add3A_527 = arith.addf %get3A_514, %get3A_526 : vector<16xf32>
        %sub3A_528 = arith.subf %add3A_527, %get3A_521 : vector<16xf32>
        %abs3A_529 = math.absf %sub3A_528 : vector<16xf32>
        %add3A_530 = arith.addf %add3A_509, %abs3A_529 : vector<16xf32>
        %get3A_531 = arith.index_cast %select_n3A_55 : i32 to index
        %get3A_532 = arith.index_cast %add3A_486 : i32 to index
        %get3A_533 = arith.constant 32 : index
        %get3A_534 = tpu.vector_load %arg7[%get3A_531, %get3A_532, %get3A_533] {strides = array<i32>} : memref<2x128x128xf32, #tpu.memory_space<vmem>>, vector<1x1x16xf32>,
        %get3A_535 = vector.shape_cast %get3A_534 : vector<1x1x16xf32> to vector<16xf32>
        %add3A_536 = arith.constant 64 : i32
        %add3A_537 = arith.addi %add3A_536, %add3A_486 : i32
        %get3A_538 = arith.index_cast %select_n3A_55 : i32 to index
        %get3A_539 = arith.index_cast %add3A_537 : i32 to index
        %get3A_540 = arith.constant 32 : index
        %get3A_541 = tpu.vector_load %arg7[%get3A_538, %get3A_539, %get3A_540] {strides = array<i32>} : memref<2x128x128xf32, #tpu.memory_space<vmem>>, vector<1x1x16xf32>,
        %get3A_542 = vector.shape_cast %get3A_541 : vector<1x1x16xf32> to vector<16xf32>
        %get3A_543 = arith.index_cast %select_n3A_55 : i32 to index
        %get3A_544 = arith.index_cast %add3A_486 : i32 to index
        %get3A_545 = arith.constant 32 : index
        %get3A_546 = tpu.vector_load %arg8[%get3A_543, %get3A_544, %get3A_545] {strides = array<i32>} : memref<2x64x128xf32, #tpu.memory_space<vmem>>, vector<1x1x16xf32>,
        %get3A_547 = vector.shape_cast %get3A_546 : vector<1x1x16xf32> to vector<16xf32>
        %add3A_548 = arith.addf %get3A_535, %get3A_547 : vector<16xf32>
        %sub3A_549 = arith.subf %add3A_548, %get3A_542 : vector<16xf32>
        %abs3A_550 = math.absf %sub3A_549 : vector<16xf32>
        %add3A_551 = arith.addf %add3A_530, %abs3A_550 : vector<16xf32>
        %get3A_552 = arith.index_cast %select_n3A_55 : i32 to index
        %get3A_553 = arith.index_cast %add3A_486 : i32 to index
        %get3A_554 = arith.constant 48 : index
        %get3A_555 = tpu.vector_load %arg7[%get3A_552, %get3A_553, %get3A_554] {strides = array<i32>} : memref<2x128x128xf32, #tpu.memory_space<vmem>>, vector<1x1x16xf32>,
        %get3A_556 = vector.shape_cast %get3A_555 : vector<1x1x16xf32> to vector<16xf32>
        %add3A_557 = arith.constant 64 : i32
        %add3A_558 = arith.addi %add3A_557, %add3A_486 : i32
        %get3A_559 = arith.index_cast %select_n3A_55 : i32 to index
        %get3A_560 = arith.index_cast %add3A_558 : i32 to index
        %get3A_561 = arith.constant 48 : index
        %get3A_562 = tpu.vector_load %arg7[%get3A_559, %get3A_560, %get3A_561] {strides = array<i32>} : memref<2x128x128xf32, #tpu.memory_space<vmem>>, vector<1x1x16xf32>,
        %get3A_563 = vector.shape_cast %get3A_562 : vector<1x1x16xf32> to vector<16xf32>
        %get3A_564 = arith.index_cast %select_n3A_55 : i32 to index
        %get3A_565 = arith.index_cast %add3A_486 : i32 to index
        %get3A_566 = arith.constant 48 : index
        %get3A_567 = tpu.vector_load %arg8[%get3A_564, %get3A_565, %get3A_566] {strides = array<i32>} : memref<2x64x128xf32, #tpu.memory_space<vmem>>, vector<1x1x16xf32>,
        %get3A_568 = vector.shape_cast %get3A_567 : vector<1x1x16xf32> to vector<16xf32>
        %add3A_569 = arith.addf %get3A_556, %get3A_568 : vector<16xf32>
        %sub3A_570 = arith.subf %add3A_569, %get3A_563 : vector<16xf32>
        %abs3A_571 = math.absf %sub3A_570 : vector<16xf32>
        %add3A_572 = arith.addf %add3A_551, %abs3A_571 : vector<16xf32>
        %get3A_573 = arith.index_cast %select_n3A_55 : i32 to index
        %get3A_574 = arith.index_cast %add3A_486 : i32 to index
        %get3A_575 = arith.constant 64 : index
        %get3A_576 = tpu.vector_load %arg7[%get3A_573, %get3A_574, %get3A_575] {strides = array<i32>} : memref<2x128x128xf32, #tpu.memory_space<vmem>>, vector<1x1x16xf32>,
        %get3A_577 = vector.shape_cast %get3A_576 : vector<1x1x16xf32> to vector<16xf32>
        %add3A_578 = arith.constant 64 : i32
        %add3A_579 = arith.addi %add3A_578, %add3A_486 : i32
        %get3A_580 = arith.index_cast %select_n3A_55 : i32 to index
        %get3A_581 = arith.index_cast %add3A_579 : i32 to index
        %get3A_582 = arith.constant 64 : index
        %get3A_583 = tpu.vector_load %arg7[%get3A_580, %get3A_581, %get3A_582] {strides = array<i32>} : memref<2x128x128xf32, #tpu.memory_space<vmem>>, vector<1x1x16xf32>,
        %get3A_584 = vector.shape_cast %get3A_583 : vector<1x1x16xf32> to vector<16xf32>
        %get3A_585 = arith.index_cast %select_n3A_55 : i32 to index
        %get3A_586 = arith.index_cast %add3A_486 : i32 to index
        %get3A_587 = arith.constant 64 : index
        %get3A_588 = tpu.vector_load %arg8[%get3A_585, %get3A_586, %get3A_587] {strides = array<i32>} : memref<2x64x128xf32, #tpu.memory_space<vmem>>, vector<1x1x16xf32>,
        %get3A_589 = vector.shape_cast %get3A_588 : vector<1x1x16xf32> to vector<16xf32>
        %add3A_590 = arith.addf %get3A_577, %get3A_589 : vector<16xf32>
        %sub3A_591 = arith.subf %add3A_590, %get3A_584 : vector<16xf32>
        %abs3A_592 = math.absf %sub3A_591 : vector<16xf32>
        %add3A_593 = arith.addf %add3A_572, %abs3A_592 : vector<16xf32>
        %get3A_594 = arith.index_cast %select_n3A_55 : i32 to index
        %get3A_595 = arith.index_cast %add3A_486 : i32 to index
        %get3A_596 = arith.constant 80 : index
        %get3A_597 = tpu.vector_load %arg7[%get3A_594, %get3A_595, %get3A_596] {strides = array<i32>} : memref<2x128x128xf32, #tpu.memory_space<vmem>>, vector<1x1x16xf32>,
        %get3A_598 = vector.shape_cast %get3A_597 : vector<1x1x16xf32> to vector<16xf32>
        %add3A_599 = arith.constant 64 : i32
        %add3A_600 = arith.addi %add3A_599, %add3A_486 : i32
        %get3A_601 = arith.index_cast %select_n3A_55 : i32 to index
        %get3A_602 = arith.index_cast %add3A_600 : i32 to index
        %get3A_603 = arith.constant 80 : index
        %get3A_604 = tpu.vector_load %arg7[%get3A_601, %get3A_602, %get3A_603] {strides = array<i32>} : memref<2x128x128xf32, #tpu.memory_space<vmem>>, vector<1x1x16xf32>,
        %get3A_605 = vector.shape_cast %get3A_604 : vector<1x1x16xf32> to vector<16xf32>
        %get3A_606 = arith.index_cast %select_n3A_55 : i32 to index
        %get3A_607 = arith.index_cast %add3A_486 : i32 to index
        %get3A_608 = arith.constant 80 : index
        %get3A_609 = tpu.vector_load %arg8[%get3A_606, %get3A_607, %get3A_608] {strides = array<i32>} : memref<2x64x128xf32, #tpu.memory_space<vmem>>, vector<1x1x16xf32>,
        %get3A_610 = vector.shape_cast %get3A_609 : vector<1x1x16xf32> to vector<16xf32>
        %add3A_611 = arith.addf %get3A_598, %get3A_610 : vector<16xf32>
        %sub3A_612 = arith.subf %add3A_611, %get3A_605 : vector<16xf32>
        %abs3A_613 = math.absf %sub3A_612 : vector<16xf32>
        %add3A_614 = arith.addf %add3A_593, %abs3A_613 : vector<16xf32>
        %get3A_615 = arith.index_cast %select_n3A_55 : i32 to index
        %get3A_616 = arith.index_cast %add3A_486 : i32 to index
        %get3A_617 = arith.constant 96 : index
        %get3A_618 = tpu.vector_load %arg7[%get3A_615, %get3A_616, %get3A_617] {strides = array<i32>} : memref<2x128x128xf32, #tpu.memory_space<vmem>>, vector<1x1x16xf32>,
        %get3A_619 = vector.shape_cast %get3A_618 : vector<1x1x16xf32> to vector<16xf32>
        %add3A_620 = arith.constant 64 : i32
        %add3A_621 = arith.addi %add3A_620, %add3A_486 : i32
        %get3A_622 = arith.index_cast %select_n3A_55 : i32 to index
        %get3A_623 = arith.index_cast %add3A_621 : i32 to index
        %get3A_624 = arith.constant 96 : index
        %get3A_625 = tpu.vector_load %arg7[%get3A_622, %get3A_623, %get3A_624] {strides = array<i32>} : memref<2x128x128xf32, #tpu.memory_space<vmem>>, vector<1x1x16xf32>,
        %get3A_626 = vector.shape_cast %get3A_625 : vector<1x1x16xf32> to vector<16xf32>
        %get3A_627 = arith.index_cast %select_n3A_55 : i32 to index
        %get3A_628 = arith.index_cast %add3A_486 : i32 to index
        %get3A_629 = arith.constant 96 : index
        %get3A_630 = tpu.vector_load %arg8[%get3A_627, %get3A_628, %get3A_629] {strides = array<i32>} : memref<2x64x128xf32, #tpu.memory_space<vmem>>, vector<1x1x16xf32>,
        %get3A_631 = vector.shape_cast %get3A_630 : vector<1x1x16xf32> to vector<16xf32>
        %add3A_632 = arith.addf %get3A_619, %get3A_631 : vector<16xf32>
        %sub3A_633 = arith.subf %add3A_632, %get3A_626 : vector<16xf32>
        %abs3A_634 = math.absf %sub3A_633 : vector<16xf32>
        %add3A_635 = arith.addf %add3A_614, %abs3A_634 : vector<16xf32>
        %get3A_636 = arith.index_cast %select_n3A_55 : i32 to index
        %get3A_637 = arith.index_cast %add3A_486 : i32 to index
        %get3A_638 = arith.constant 112 : index
        %get3A_639 = tpu.vector_load %arg7[%get3A_636, %get3A_637, %get3A_638] {strides = array<i32>} : memref<2x128x128xf32, #tpu.memory_space<vmem>>, vector<1x1x16xf32>,
        %get3A_640 = vector.shape_cast %get3A_639 : vector<1x1x16xf32> to vector<16xf32>
        %add3A_641 = arith.constant 64 : i32
        %add3A_642 = arith.addi %add3A_641, %add3A_486 : i32
        %get3A_643 = arith.index_cast %select_n3A_55 : i32 to index
        %get3A_644 = arith.index_cast %add3A_642 : i32 to index
        %get3A_645 = arith.constant 112 : index
        %get3A_646 = tpu.vector_load %arg7[%get3A_643, %get3A_644, %get3A_645] {strides = array<i32>} : memref<2x128x128xf32, #tpu.memory_space<vmem>>, vector<1x1x16xf32>,
        %get3A_647 = vector.shape_cast %get3A_646 : vector<1x1x16xf32> to vector<16xf32>
        %get3A_648 = arith.index_cast %select_n3A_55 : i32 to index
        %get3A_649 = arith.index_cast %add3A_486 : i32 to index
        %get3A_650 = arith.constant 112 : index
        %get3A_651 = tpu.vector_load %arg8[%get3A_648, %get3A_649, %get3A_650] {strides = array<i32>} : memref<2x64x128xf32, #tpu.memory_space<vmem>>, vector<1x1x16xf32>,
        %get3A_652 = vector.shape_cast %get3A_651 : vector<1x1x16xf32> to vector<16xf32>
        %add3A_653 = arith.addf %get3A_640, %get3A_652 : vector<16xf32>
        %sub3A_654 = arith.subf %add3A_653, %get3A_647 : vector<16xf32>
        %abs3A_655 = math.absf %sub3A_654 : vector<16xf32>
        %add3A_656 = arith.addf %add3A_635, %abs3A_655 : vector<16xf32>
        %broadcast_in_dim3A_657 = vector.shape_cast %xor3A_17 : vector<16xi32> to vector<16x1xi32>
        %gather3A_658 = vector.shape_cast %broadcast_in_dim3A_657 : vector<16x1xi32> to vector<16xi32>
        %gather3A_659 = tpu.dynamic_gather %add3A_656[%gather3A_658] in [0] : vector<16xf32>, vector<16xi32> -> vector<16xf32>
        %add3A_660 = arith.addf %add3A_656, %gather3A_659 : vector<16xf32>
        %broadcast_in_dim3A_661 = vector.shape_cast %xor3A_20 : vector<16xi32> to vector<16x1xi32>
        %gather3A_662 = vector.shape_cast %broadcast_in_dim3A_661 : vector<16x1xi32> to vector<16xi32>
        %gather3A_663 = tpu.dynamic_gather %add3A_660[%gather3A_662] in [0] : vector<16xf32>, vector<16xi32> -> vector<16xf32>
        %add3A_664 = arith.addf %add3A_660, %gather3A_663 : vector<16xf32>
        %broadcast_in_dim3A_665 = vector.shape_cast %xor3A_23 : vector<16xi32> to vector<16x1xi32>
        %gather3A_666 = vector.shape_cast %broadcast_in_dim3A_665 : vector<16x1xi32> to vector<16xi32>
        %gather3A_667 = tpu.dynamic_gather %add3A_664[%gather3A_666] in [0] : vector<16xf32>, vector<16xi32> -> vector<16xf32>
        %add3A_668 = arith.addf %add3A_664, %gather3A_667 : vector<16xf32>
        %broadcast_in_dim3A_669 = vector.shape_cast %xor3A_26 : vector<16xi32> to vector<16x1xi32>
        %gather3A_670 = vector.shape_cast %broadcast_in_dim3A_669 : vector<16x1xi32> to vector<16xi32>
        %gather3A_671 = tpu.dynamic_gather %add3A_668[%gather3A_670] in [0] : vector<16xf32>, vector<16xi32> -> vector<16xf32>
        %add3A_672 = arith.addf %add3A_668, %gather3A_671 : vector<16xf32>
        %add3A_673 = arith.constant 2 : i32
        %add3A_674 = arith.addi %mul3A_91, %add3A_673 : i32
        %eq3A_675 = vector.broadcast %add3A_674 : i32 to vector<16xi32>
        %eq3A_676 = arith.cmpi eq, %iota3A, %eq3A_675 : vector<16xi32>
        %neg3A_677 = arith.constant 0.000000e+00 : f32
        %neg3A_678 = vector.broadcast %neg3A_677 : f32 to vector<16xf32>
        %neg3A_679 = arith.subf %neg3A_678, %add3A_672 : vector<16xf32>
        %select_n3A_680 = arith.select %eq3A_676, %neg3A_679, %select_n3A_482 : vector<16xi1>, vector<16xf32>
        %mul3A_681 = arith.constant 4 : i32
        %mul3A_682 = arith.muli %scan3A_72, %mul3A_681 : i32
        %add3A_683 = arith.constant 3 : i32
        %add3A_684 = arith.addi %mul3A_682, %add3A_683 : i32
        %broadcast_in_dim3A_685 = arith.constant 0.000000e+00 : f32
        %broadcast_in_dim3A_686 = vector.broadcast %broadcast_in_dim3A_685 : f32 to vector<16xf32>
        %get3A_687 = arith.index_cast %select_n3A_55 : i32 to index
        %get3A_688 = arith.index_cast %add3A_684 : i32 to index
        %get3A_689 = arith.constant 0 : index
        %get3A_690 = tpu.vector_load %arg7[%get3A_687, %get3A_688, %get3A_689] {strides = array<i32>} : memref<2x128x128xf32, #tpu.memory_space<vmem>>, vector<1x1x16xf32>,
        %get3A_691 = vector.shape_cast %get3A_690 : vector<1x1x16xf32> to vector<16xf32>
        %add3A_692 = arith.constant 64 : i32
        %add3A_693 = arith.addi %add3A_692, %add3A_684 : i32
        %get3A_694 = arith.index_cast %select_n3A_55 : i32 to index
        %get3A_695 = arith.index_cast %add3A_693 : i32 to index
        %get3A_696 = arith.constant 0 : index
        %get3A_697 = tpu.vector_load %arg7[%get3A_694, %get3A_695, %get3A_696] {strides = array<i32>} : memref<2x128x128xf32, #tpu.memory_space<vmem>>, vector<1x1x16xf32>,
        %get3A_698 = vector.shape_cast %get3A_697 : vector<1x1x16xf32> to vector<16xf32>
        %get3A_699 = arith.index_cast %select_n3A_55 : i32 to index
        %get3A_700 = arith.index_cast %add3A_684 : i32 to index
        %get3A_701 = arith.constant 0 : index
        %get3A_702 = tpu.vector_load %arg8[%get3A_699, %get3A_700, %get3A_701] {strides = array<i32>} : memref<2x64x128xf32, #tpu.memory_space<vmem>>, vector<1x1x16xf32>,
        %get3A_703 = vector.shape_cast %get3A_702 : vector<1x1x16xf32> to vector<16xf32>
        %add3A_704 = arith.addf %get3A_691, %get3A_703 : vector<16xf32>
        %sub3A_705 = arith.subf %add3A_704, %get3A_698 : vector<16xf32>
        %abs3A_706 = math.absf %sub3A_705 : vector<16xf32>
        %add3A_707 = arith.addf %broadcast_in_dim3A_686, %abs3A_706 : vector<16xf32>
        %get3A_708 = arith.index_cast %select_n3A_55 : i32 to index
        %get3A_709 = arith.index_cast %add3A_684 : i32 to index
        %get3A_710 = arith.constant 16 : index
        %get3A_711 = tpu.vector_load %arg7[%get3A_708, %get3A_709, %get3A_710] {strides = array<i32>} : memref<2x128x128xf32, #tpu.memory_space<vmem>>, vector<1x1x16xf32>,
        %get3A_712 = vector.shape_cast %get3A_711 : vector<1x1x16xf32> to vector<16xf32>
        %add3A_713 = arith.constant 64 : i32
        %add3A_714 = arith.addi %add3A_713, %add3A_684 : i32
        %get3A_715 = arith.index_cast %select_n3A_55 : i32 to index
        %get3A_716 = arith.index_cast %add3A_714 : i32 to index
        %get3A_717 = arith.constant 16 : index
        %get3A_718 = tpu.vector_load %arg7[%get3A_715, %get3A_716, %get3A_717] {strides = array<i32>} : memref<2x128x128xf32, #tpu.memory_space<vmem>>, vector<1x1x16xf32>,
        %get3A_719 = vector.shape_cast %get3A_718 : vector<1x1x16xf32> to vector<16xf32>
        %get3A_720 = arith.index_cast %select_n3A_55 : i32 to index
        %get3A_721 = arith.index_cast %add3A_684 : i32 to index
        %get3A_722 = arith.constant 16 : index
        %get3A_723 = tpu.vector_load %arg8[%get3A_720, %get3A_721, %get3A_722] {strides = array<i32>} : memref<2x64x128xf32, #tpu.memory_space<vmem>>, vector<1x1x16xf32>,
        %get3A_724 = vector.shape_cast %get3A_723 : vector<1x1x16xf32> to vector<16xf32>
        %add3A_725 = arith.addf %get3A_712, %get3A_724 : vector<16xf32>
        %sub3A_726 = arith.subf %add3A_725, %get3A_719 : vector<16xf32>
        %abs3A_727 = math.absf %sub3A_726 : vector<16xf32>
        %add3A_728 = arith.addf %add3A_707, %abs3A_727 : vector<16xf32>
        %get3A_729 = arith.index_cast %select_n3A_55 : i32 to index
        %get3A_730 = arith.index_cast %add3A_684 : i32 to index
        %get3A_731 = arith.constant 32 : index
        %get3A_732 = tpu.vector_load %arg7[%get3A_729, %get3A_730, %get3A_731] {strides = array<i32>} : memref<2x128x128xf32, #tpu.memory_space<vmem>>, vector<1x1x16xf32>,
        %get3A_733 = vector.shape_cast %get3A_732 : vector<1x1x16xf32> to vector<16xf32>
        %add3A_734 = arith.constant 64 : i32
        %add3A_735 = arith.addi %add3A_734, %add3A_684 : i32
        %get3A_736 = arith.index_cast %select_n3A_55 : i32 to index
        %get3A_737 = arith.index_cast %add3A_735 : i32 to index
        %get3A_738 = arith.constant 32 : index
        %get3A_739 = tpu.vector_load %arg7[%get3A_736, %get3A_737, %get3A_738] {strides = array<i32>} : memref<2x128x128xf32, #tpu.memory_space<vmem>>, vector<1x1x16xf32>,
        %get3A_740 = vector.shape_cast %get3A_739 : vector<1x1x16xf32> to vector<16xf32>
        %get3A_741 = arith.index_cast %select_n3A_55 : i32 to index
        %get3A_742 = arith.index_cast %add3A_684 : i32 to index
        %get3A_743 = arith.constant 32 : index
        %get3A_744 = tpu.vector_load %arg8[%get3A_741, %get3A_742, %get3A_743] {strides = array<i32>} : memref<2x64x128xf32, #tpu.memory_space<vmem>>, vector<1x1x16xf32>,
        %get3A_745 = vector.shape_cast %get3A_744 : vector<1x1x16xf32> to vector<16xf32>
        %add3A_746 = arith.addf %get3A_733, %get3A_745 : vector<16xf32>
        %sub3A_747 = arith.subf %add3A_746, %get3A_740 : vector<16xf32>
        %abs3A_748 = math.absf %sub3A_747 : vector<16xf32>
        %add3A_749 = arith.addf %add3A_728, %abs3A_748 : vector<16xf32>
        %get3A_750 = arith.index_cast %select_n3A_55 : i32 to index
        %get3A_751 = arith.index_cast %add3A_684 : i32 to index
        %get3A_752 = arith.constant 48 : index
        %get3A_753 = tpu.vector_load %arg7[%get3A_750, %get3A_751, %get3A_752] {strides = array<i32>} : memref<2x128x128xf32, #tpu.memory_space<vmem>>, vector<1x1x16xf32>,
        %get3A_754 = vector.shape_cast %get3A_753 : vector<1x1x16xf32> to vector<16xf32>
        %add3A_755 = arith.constant 64 : i32
        %add3A_756 = arith.addi %add3A_755, %add3A_684 : i32
        %get3A_757 = arith.index_cast %select_n3A_55 : i32 to index
        %get3A_758 = arith.index_cast %add3A_756 : i32 to index
        %get3A_759 = arith.constant 48 : index
        %get3A_760 = tpu.vector_load %arg7[%get3A_757, %get3A_758, %get3A_759] {strides = array<i32>} : memref<2x128x128xf32, #tpu.memory_space<vmem>>, vector<1x1x16xf32>,
        %get3A_761 = vector.shape_cast %get3A_760 : vector<1x1x16xf32> to vector<16xf32>
        %get3A_762 = arith.index_cast %select_n3A_55 : i32 to index
        %get3A_763 = arith.index_cast %add3A_684 : i32 to index
        %get3A_764 = arith.constant 48 : index
        %get3A_765 = tpu.vector_load %arg8[%get3A_762, %get3A_763, %get3A_764] {strides = array<i32>} : memref<2x64x128xf32, #tpu.memory_space<vmem>>, vector<1x1x16xf32>,
        %get3A_766 = vector.shape_cast %get3A_765 : vector<1x1x16xf32> to vector<16xf32>
        %add3A_767 = arith.addf %get3A_754, %get3A_766 : vector<16xf32>
        %sub3A_768 = arith.subf %add3A_767, %get3A_761 : vector<16xf32>
        %abs3A_769 = math.absf %sub3A_768 : vector<16xf32>
        %add3A_770 = arith.addf %add3A_749, %abs3A_769 : vector<16xf32>
        %get3A_771 = arith.index_cast %select_n3A_55 : i32 to index
        %get3A_772 = arith.index_cast %add3A_684 : i32 to index
        %get3A_773 = arith.constant 64 : index
        %get3A_774 = tpu.vector_load %arg7[%get3A_771, %get3A_772, %get3A_773] {strides = array<i32>} : memref<2x128x128xf32, #tpu.memory_space<vmem>>, vector<1x1x16xf32>,
        %get3A_775 = vector.shape_cast %get3A_774 : vector<1x1x16xf32> to vector<16xf32>
        %add3A_776 = arith.constant 64 : i32
        %add3A_777 = arith.addi %add3A_776, %add3A_684 : i32
        %get3A_778 = arith.index_cast %select_n3A_55 : i32 to index
        %get3A_779 = arith.index_cast %add3A_777 : i32 to index
        %get3A_780 = arith.constant 64 : index
        %get3A_781 = tpu.vector_load %arg7[%get3A_778, %get3A_779, %get3A_780] {strides = array<i32>} : memref<2x128x128xf32, #tpu.memory_space<vmem>>, vector<1x1x16xf32>,
        %get3A_782 = vector.shape_cast %get3A_781 : vector<1x1x16xf32> to vector<16xf32>
        %get3A_783 = arith.index_cast %select_n3A_55 : i32 to index
        %get3A_784 = arith.index_cast %add3A_684 : i32 to index
        %get3A_785 = arith.constant 64 : index
        %get3A_786 = tpu.vector_load %arg8[%get3A_783, %get3A_784, %get3A_785] {strides = array<i32>} : memref<2x64x128xf32, #tpu.memory_space<vmem>>, vector<1x1x16xf32>,
        %get3A_787 = vector.shape_cast %get3A_786 : vector<1x1x16xf32> to vector<16xf32>
        %add3A_788 = arith.addf %get3A_775, %get3A_787 : vector<16xf32>
        %sub3A_789 = arith.subf %add3A_788, %get3A_782 : vector<16xf32>
        %abs3A_790 = math.absf %sub3A_789 : vector<16xf32>
        %add3A_791 = arith.addf %add3A_770, %abs3A_790 : vector<16xf32>
        %get3A_792 = arith.index_cast %select_n3A_55 : i32 to index
        %get3A_793 = arith.index_cast %add3A_684 : i32 to index
        %get3A_794 = arith.constant 80 : index
        %get3A_795 = tpu.vector_load %arg7[%get3A_792, %get3A_793, %get3A_794] {strides = array<i32>} : memref<2x128x128xf32, #tpu.memory_space<vmem>>, vector<1x1x16xf32>,
        %get3A_796 = vector.shape_cast %get3A_795 : vector<1x1x16xf32> to vector<16xf32>
        %add3A_797 = arith.constant 64 : i32
        %add3A_798 = arith.addi %add3A_797, %add3A_684 : i32
        %get3A_799 = arith.index_cast %select_n3A_55 : i32 to index
        %get3A_800 = arith.index_cast %add3A_798 : i32 to index
        %get3A_801 = arith.constant 80 : index
        %get3A_802 = tpu.vector_load %arg7[%get3A_799, %get3A_800, %get3A_801] {strides = array<i32>} : memref<2x128x128xf32, #tpu.memory_space<vmem>>, vector<1x1x16xf32>,
        %get3A_803 = vector.shape_cast %get3A_802 : vector<1x1x16xf32> to vector<16xf32>
        %get3A_804 = arith.index_cast %select_n3A_55 : i32 to index
        %get3A_805 = arith.index_cast %add3A_684 : i32 to index
        %get3A_806 = arith.constant 80 : index
        %get3A_807 = tpu.vector_load %arg8[%get3A_804, %get3A_805, %get3A_806] {strides = array<i32>} : memref<2x64x128xf32, #tpu.memory_space<vmem>>, vector<1x1x16xf32>,
        %get3A_808 = vector.shape_cast %get3A_807 : vector<1x1x16xf32> to vector<16xf32>
        %add3A_809 = arith.addf %get3A_796, %get3A_808 : vector<16xf32>
        %sub3A_810 = arith.subf %add3A_809, %get3A_803 : vector<16xf32>
        %abs3A_811 = math.absf %sub3A_810 : vector<16xf32>
        %add3A_812 = arith.addf %add3A_791, %abs3A_811 : vector<16xf32>
        %get3A_813 = arith.index_cast %select_n3A_55 : i32 to index
        %get3A_814 = arith.index_cast %add3A_684 : i32 to index
        %get3A_815 = arith.constant 96 : index
        %get3A_816 = tpu.vector_load %arg7[%get3A_813, %get3A_814, %get3A_815] {strides = array<i32>} : memref<2x128x128xf32, #tpu.memory_space<vmem>>, vector<1x1x16xf32>,
        %get3A_817 = vector.shape_cast %get3A_816 : vector<1x1x16xf32> to vector<16xf32>
        %add3A_818 = arith.constant 64 : i32
        %add3A_819 = arith.addi %add3A_818, %add3A_684 : i32
        %get3A_820 = arith.index_cast %select_n3A_55 : i32 to index
        %get3A_821 = arith.index_cast %add3A_819 : i32 to index
        %get3A_822 = arith.constant 96 : index
        %get3A_823 = tpu.vector_load %arg7[%get3A_820, %get3A_821, %get3A_822] {strides = array<i32>} : memref<2x128x128xf32, #tpu.memory_space<vmem>>, vector<1x1x16xf32>,
        %get3A_824 = vector.shape_cast %get3A_823 : vector<1x1x16xf32> to vector<16xf32>
        %get3A_825 = arith.index_cast %select_n3A_55 : i32 to index
        %get3A_826 = arith.index_cast %add3A_684 : i32 to index
        %get3A_827 = arith.constant 96 : index
        %get3A_828 = tpu.vector_load %arg8[%get3A_825, %get3A_826, %get3A_827] {strides = array<i32>} : memref<2x64x128xf32, #tpu.memory_space<vmem>>, vector<1x1x16xf32>,
        %get3A_829 = vector.shape_cast %get3A_828 : vector<1x1x16xf32> to vector<16xf32>
        %add3A_830 = arith.addf %get3A_817, %get3A_829 : vector<16xf32>
        %sub3A_831 = arith.subf %add3A_830, %get3A_824 : vector<16xf32>
        %abs3A_832 = math.absf %sub3A_831 : vector<16xf32>
        %add3A_833 = arith.addf %add3A_812, %abs3A_832 : vector<16xf32>
        %get3A_834 = arith.index_cast %select_n3A_55 : i32 to index
        %get3A_835 = arith.index_cast %add3A_684 : i32 to index
        %get3A_836 = arith.constant 112 : index
        %get3A_837 = tpu.vector_load %arg7[%get3A_834, %get3A_835, %get3A_836] {strides = array<i32>} : memref<2x128x128xf32, #tpu.memory_space<vmem>>, vector<1x1x16xf32>,
        %get3A_838 = vector.shape_cast %get3A_837 : vector<1x1x16xf32> to vector<16xf32>
        %add3A_839 = arith.constant 64 : i32
        %add3A_840 = arith.addi %add3A_839, %add3A_684 : i32
        %get3A_841 = arith.index_cast %select_n3A_55 : i32 to index
        %get3A_842 = arith.index_cast %add3A_840 : i32 to index
        %get3A_843 = arith.constant 112 : index
        %get3A_844 = tpu.vector_load %arg7[%get3A_841, %get3A_842, %get3A_843] {strides = array<i32>} : memref<2x128x128xf32, #tpu.memory_space<vmem>>, vector<1x1x16xf32>,
        %get3A_845 = vector.shape_cast %get3A_844 : vector<1x1x16xf32> to vector<16xf32>
        %get3A_846 = arith.index_cast %select_n3A_55 : i32 to index
        %get3A_847 = arith.index_cast %add3A_684 : i32 to index
        %get3A_848 = arith.constant 112 : index
        %get3A_849 = tpu.vector_load %arg8[%get3A_846, %get3A_847, %get3A_848] {strides = array<i32>} : memref<2x64x128xf32, #tpu.memory_space<vmem>>, vector<1x1x16xf32>,
        %get3A_850 = vector.shape_cast %get3A_849 : vector<1x1x16xf32> to vector<16xf32>
        %add3A_851 = arith.addf %get3A_838, %get3A_850 : vector<16xf32>
        %sub3A_852 = arith.subf %add3A_851, %get3A_845 : vector<16xf32>
        %abs3A_853 = math.absf %sub3A_852 : vector<16xf32>
        %add3A_854 = arith.addf %add3A_833, %abs3A_853 : vector<16xf32>
        %broadcast_in_dim3A_855 = vector.shape_cast %xor3A_17 : vector<16xi32> to vector<16x1xi32>
        %gather3A_856 = vector.shape_cast %broadcast_in_dim3A_855 : vector<16x1xi32> to vector<16xi32>
        %gather3A_857 = tpu.dynamic_gather %add3A_854[%gather3A_856] in [0] : vector<16xf32>, vector<16xi32> -> vector<16xf32>
        %add3A_858 = arith.addf %add3A_854, %gather3A_857 : vector<16xf32>
        %broadcast_in_dim3A_859 = vector.shape_cast %xor3A_20 : vector<16xi32> to vector<16x1xi32>
        %gather3A_860 = vector.shape_cast %broadcast_in_dim3A_859 : vector<16x1xi32> to vector<16xi32>
        %gather3A_861 = tpu.dynamic_gather %add3A_858[%gather3A_860] in [0] : vector<16xf32>, vector<16xi32> -> vector<16xf32>
        %add3A_862 = arith.addf %add3A_858, %gather3A_861 : vector<16xf32>
        %broadcast_in_dim3A_863 = vector.shape_cast %xor3A_23 : vector<16xi32> to vector<16x1xi32>
        %gather3A_864 = vector.shape_cast %broadcast_in_dim3A_863 : vector<16x1xi32> to vector<16xi32>
        %gather3A_865 = tpu.dynamic_gather %add3A_862[%gather3A_864] in [0] : vector<16xf32>, vector<16xi32> -> vector<16xf32>
        %add3A_866 = arith.addf %add3A_862, %gather3A_865 : vector<16xf32>
        %broadcast_in_dim3A_867 = vector.shape_cast %xor3A_26 : vector<16xi32> to vector<16x1xi32>
        %gather3A_868 = vector.shape_cast %broadcast_in_dim3A_867 : vector<16x1xi32> to vector<16xi32>
        %gather3A_869 = tpu.dynamic_gather %add3A_866[%gather3A_868] in [0] : vector<16xf32>, vector<16xi32> -> vector<16xf32>
        %add3A_870 = arith.addf %add3A_866, %gather3A_869 : vector<16xf32>
        %add3A_871 = arith.constant 3 : i32
        %add3A_872 = arith.addi %mul3A_91, %add3A_871 : i32
        %eq3A_873 = vector.broadcast %add3A_872 : i32 to vector<16xi32>
        %eq3A_874 = arith.cmpi eq, %iota3A, %eq3A_873 : vector<16xi32>
        %neg3A_875 = arith.constant 0.000000e+00 : f32
        %neg3A_876 = vector.broadcast %neg3A_875 : f32 to vector<16xf32>
        %neg3A_877 = arith.subf %neg3A_876, %add3A_870 : vector<16xf32>
        %select_n3A_878 = arith.select %eq3A_874, %neg3A_877, %select_n3A_680 : vector<16xi1>, vector<16xf32>
        %eq3A_879 = arith.constant 12 : i32
        %eq3A_880 = arith.cmpi eq, %mul3A_91, %eq3A_879 : i32
        %convert_element_type3A_881 = arith.extui %eq3A_880 : i1 to i32
        %cond3A_882 = arith.constant 0 : i32
        %cond3A_883 = arith.cmpi ne, %convert_element_type3A_881, %cond3A_882 : i32
        scf.if %cond3A_883 {
          %mul3A_884 = arith.constant 64 : i32
          %mul3A_885 = arith.muli %scan3A_45, %mul3A_884 : i32
          %jit3A_886 = arith.constant 4 : i32
          %div3A = arith.divsi %scan3A_72, %jit3A_886 : i32
          %sign3A = arith.constant 0 : i32
          %sign3A_887 = arith.cmpi sgt, %scan3A_72, %sign3A : i32
          %sign3A_888 = arith.extui %sign3A_887 : i1 to i32
          %sign3A_889 = arith.constant 0 : i32
          %sign3A_890 = arith.cmpi slt, %scan3A_72, %sign3A_889 : i32
          %sign3A_891 = arith.extui %sign3A_890 : i1 to i32
          %sign3A_892 = arith.subi %sign3A_888, %sign3A_891 : i32
          %sign3A_893 = arith.constant 0 : i32
          %sign3A_894 = arith.cmpi sgt, %jit3A_886, %sign3A_893 : i32
          %sign3A_895 = arith.extui %sign3A_894 : i1 to i32
          %sign3A_896 = arith.constant 0 : i32
          %sign3A_897 = arith.cmpi slt, %jit3A_886, %sign3A_896 : i32
          %sign3A_898 = arith.extui %sign3A_897 : i1 to i32
          %sign3A_899 = arith.subi %sign3A_895, %sign3A_898 : i32
          %ne3A_900 = arith.cmpi ne, %sign3A_892, %sign3A_899 : i32
          %rem3A_901 = arith.remsi %scan3A_72, %jit3A_886 : i32
          %ne3A_902 = arith.constant 0 : i32
          %ne3A_903 = arith.cmpi ne, %rem3A_901, %ne3A_902 : i32
          %and3A_904 = arith.andi %ne3A_900, %ne3A_903 : i1
          %sub3A_905 = arith.constant 1 : i32
          %sub3A_906 = arith.subi %div3A, %sub3A_905 : i32
          %select_n3A_907 = arith.select %and3A_904, %sub3A_906, %div3A : i32
          %mul3A_908 = arith.constant 16 : i32
          %mul3A_909 = arith.muli %select_n3A_907, %mul3A_908 : i32
          %add3A_910 = arith.addi %mul3A_885, %mul3A_909 : i32
          %swap3A = arith.index_cast %add3A_910 : i32 to index
          %swap3A_911 = tpu.vector_load %arg9[%swap3A] {strides = array<i32>} : memref<512xf32, #tpu.memory_space<vmem>>, vector<16xf32>,
          %swap3A_912 = vector.shape_cast %swap3A_911 : vector<16xf32> to vector<16xf32>
          %swap3A_913 = vector.shape_cast %select_n3A_878 : vector<16xf32> to vector<16xf32>
          tpu.vector_store %arg9[%swap3A], %swap3A_913 {strides = array<i32>} : memref<512xf32, #tpu.memory_space<vmem>>, vector<16xf32>,
        } else {
        }
        scf.yield %select_n3A_878 : vector<16xf32>
      }
      %scan3A_70 = arith.constant 16 : i32
      %scan3A_71 = arith.constant 0 : i32
      scf.yield %scan3A_71 : i32
    }
    %scan3A_42 = arith.constant 8 : i32
    %mul3A_43 = arith.constant 512 : i32
    %mul3A_44 = arith.muli %add3A, %mul3A_43 : i32
    "tpu.region"() ({
      %run_scoped3A = tpu.sem_alloc : memref<!tpu.dma_semaphore, #tpu.memory_space<semaphore_mem>>
      %dma_start3A_45 = tpu.memref_slice %arg5[%mul3A_44] : memref<16384xf32, #tpu.memory_space<hbm>> -> memref<512xf32, #tpu.memory_space<hbm>>
      %dma_start3A_46 = tpu.memref_slice %arg5[%mul3A_44] : memref<16384xf32, #tpu.memory_space<hbm>> -> memref<512xf32, #tpu.memory_space<hbm>>
      tpu.enqueue_dma source(%arg9 : memref<512xf32, #tpu.memory_space<vmem>>) target(%dma_start3A_46 : memref<512xf32, #tpu.memory_space<hbm>>) target_semaphore(%run_scoped3A : memref<!tpu.dma_semaphore, #tpu.memory_space<semaphore_mem>>)
      %dma_wait3A = tpu.memref_slice %arg5[%mul3A_44] : memref<16384xf32, #tpu.memory_space<hbm>> -> memref<512xf32, #tpu.memory_space<hbm>>
      %dma_wait3A_47 = tpu.memref_slice %arg5[%mul3A_44] : memref<16384xf32, #tpu.memory_space<hbm>> -> memref<512xf32, #tpu.memory_space<hbm>>
      tpu.wait_dma2 semaphore(%run_scoped3A : memref<!tpu.dma_semaphore, #tpu.memory_space<semaphore_mem>>) src(%arg9 : memref<512xf32, #tpu.memory_space<vmem>>) dst(%dma_wait3A_47 : memref<512xf32, #tpu.memory_space<hbm>>)
      tpu.yield
    }) : () -> ()
    return
  }
}

</mosaic_0001>

<sc_bundles>
// kernel: kernel.3.cloned.1.call-start
scs
__scs_entry_jumppad:
0x0: {  	(pc) =	sbr.rel $0x88, $3  }
0x1: {  	(tag) =	ssettag $0x0;
	lr =	simm.s32 $0x1  }
0x2: {  	[smem:$0x3F9C] =	sst lr;
	_ =	strace $0xD0000000  }
0x3: {  	_ = 	snop  }
0x4: {  	_ = 	snop  }
0x5: {  	_ = 	snop  }
0x6: {  	_ = 	snop  }
0x7: {  	_ = 	snop  }
__scs_overlays_trampoline_lowered:
0x8: {  	[smem:$0x3FAB] =	sst s0  }
0x9: {  	[smem:$0x3FAC] =	sst s1  }
0xa: {  	[smem:$0x3FAD] =	sst s2  }
0xb: {  	[smem:$0x3FAE] =	sst s3  }
0xc: {  	[smem:$0x3FAF] =	sst s4  }
0xd: {  	[smem:$0x3FB0] =	sst s5  }
0xe: {  	[smem:$0x3FB1] =	sst s6  }
0xf: {  	[smem:$0x3FB2] =	sst s7  }
0x10: {  	[smem:$0x3FB3] =	sst s8  }
0x11: {  	[smem:$0x3FB4] =	sst s9;
	s0 =	simm.s32 @!p0 $0x0  }
0x12: {  	s1 =	sld [smem:$0x3F9A];
	s0 =	simm.s32 @p0 $0x1  }
0x13: {  	[smem:$0x3FB5] =	sst s0;
	s0 =	simm.s32 @!p1 $0x0  }
0x14: {  	s2 =	sld [smem:$0x3F99];
	s0 =	simm.s32 @p1 $0x1  }
0x15: {  	[smem:$0x3FB6] =	sst s0;
	s0 =	simm.s32 @!p2 $0x0  }
0x16: {  	s3 =	sld [smem:$0x3FDB];
	s0 =	simm.s32 @p2 $0x1  }
0x17: {  	s4 =	simm.s32 $0x1BF5;
	[smem:$0x3FB8] =	sst s0  }
0x18: {  	s0 =	sld [smem:$0x3F9B];
	_ =	swait.ge [sflag:s4], $0x0  }
0x19: {  	s7 =	sld [smem:$0x3F9C]  }
0x1a: {  	s8 =	sadd.s32 $0xFFFFE003, lr  }
0x1b: {  	s9 =	sadd.s32 $0xFFFFFEF7, lr;
	s5 =	simm.s32 $0xFFFFFFFF;
	p2 =	slt.u32 s8, $0xFFFFF086  }
0x1c: {  	p1 =	slt.u32 s9, $0xF7A;
	s5 =	simm.s32 @!p2 $0x0  }
0x1d: {  	s5 =	simm.s32 @p1 $0x1;
	p0 =	seq.s32 s7, s2  }
0x1e: {  	s7 =	smul.u32 @!p0 $0xF7A, s2;
	p2 =	seq.s32 @!p0 s5, $0x0  }
0x1f: {  	s9 =	smul.u32 $0xF7A, s1;
	s8 =	simm.s32 @!p0 $0x1BF5;
	p2 =	por !p2, p0  }
0x20: {  	[sflag:s8] =	ssyncset.s32 @!p0 $0xFFFFF086;
	s6 =	sadd.s32 @!p0 s3, s7;
	s7 =	simm.s32 @!p0 $0x108  }
0x21: {  	s3 =	sadd.s32 s3, s9;
	s6 =	sadd.s32 @!p0 $0x88, s6;
	s7 =	simm.s32 @p2 $0x1082  }
0x22: {  	[simem:s7], [sflag:s8] =	dma.local @!p0 [hbm:s6], $0xF7A  }
0x23: {  	s9 =	sor.u32 $0xD0000000, s2;
	s6 =	simm.s32 $0x108;
	_ =	swait.ge @!p0 [sflag:s8], $0x0  }
0x24: {  	s3 =	sadd.s32 $0x88, s3;
	s6 =	simm.s32 @!p1 $0x1082;
	[sflag:s4] =	ssyncset.s32 $0xFFFFF086  }
0x25: {  	[simem:s6], [sflag:s4] =	dma.local [hbm:s3], $0xF7A  }
0x26: {  	[smem:$0x3F9C] =	sst s1;
	(tag) =	ssettag s2;
	_ =	strace s9  }
0x27: {  	s1 =	sld [smem:$0x3FAC]  }
0x28: {  	s2 =	sld [smem:$0x3FAD]  }
0x29: {  	s4 =	sld [smem:$0x3FAF]  }
0x2a: {  	p0 =	seq.s32 s5, $0x0;
	s5 =	sld [smem:$0x3FB0]  }
0x2b: {  	s6 =	sld [smem:$0x3FB1]  }
0x2c: {  	s7 =	sld [smem:$0x3FB2]  }
0x2d: {  	s3 =	simm.s32 $0x108;
	s8 =	sld [smem:$0x3FB3]  }
0x2e: {  	s3 =	simm.s32 @!p0 $0x1082;
	s9 =	sld [smem:$0x3FB4]  }
0x2f: {  	lr =	sadd.s32 s0, s3;
	s0 =	sld [smem:$0x3FAB]  }
0x30: {  	s3 =	sld [smem:$0x3FAE]  }
0x31: {  	[smem:$0x3FB7] =	sst s10  }
0x32: {  	s10 =	sld [smem:$0x3FB5];
	_ =	sdelay $0x3  }
0x33: {  	p0 =	seq.s32 s10, $0x1;
	s10 =	sld [smem:$0x3FB7];
	_ =	sdelay $0x3  }
0x34: {  	[smem:$0x3FB7] =	sst s10  }
0x35: {  	s10 =	sld [smem:$0x3FB6];
	_ =	sdelay $0x3  }
0x36: {  	p1 =	seq.s32 s10, $0x1;
	s10 =	sld [smem:$0x3FB7];
	_ =	sdelay $0x3  }
0x37: {  	[smem:$0x3FB7] =	sst s10  }
0x38: {  	s10 =	sld [smem:$0x3FB8]  }
0x39: {  	_ = 	snop;
	(pc) =	sbr.ind lr, $3  }
0x3a: {  	_ = 	snop  }
0x3b: {  	_ = 	snop  }
0x3c: {  	p2 =	seq.s32 s10, $0x1;
	s10 =	sld [smem:$0x3FB7]  }
0x3d: {  	_ =	shalt  }
0x3e: {  	_ =	shalt  }
0x3f: {  	_ =	shalt  }
0x40: {  	_ =	shalt  }
0x41: {  	_ =	shalt  }
0x42: {  	_ =	shalt  }
0x43: {  	_ =	shalt  }
0x44: {  	_ =	shalt  }
0x45: {  	_ =	shalt  }
0x46: {  	_ =	shalt  }
0x47: {  	_ =	shalt  }
0x48: {  	_ =	shalt  }
0x49: {  	_ =	shalt  }
0x4a: {  	_ =	shalt  }
0x4b: {  	_ =	shalt  }
0x4c: {  	_ =	shalt  }
0x4d: {  	_ =	shalt  }
0x4e: {  	_ =	shalt  }
0x4f: {  	_ =	shalt  }
0x50: {  	_ =	shalt  }
0x51: {  	_ =	shalt  }
0x52: {  	_ =	shalt  }
0x53: {  	_ =	shalt  }
0x54: {  	_ =	shalt  }
0x55: {  	_ =	shalt  }
0x56: {  	_ =	shalt  }
0x57: {  	_ =	shalt  }
0x58: {  	_ =	shalt  }
0x59: {  	_ =	shalt  }
0x5a: {  	_ =	shalt  }
0x5b: {  	_ =	shalt  }
0x5c: {  	_ =	shalt  }
0x5d: {  	_ =	shalt  }
0x5e: {  	_ =	shalt  }
0x5f: {  	_ =	shalt  }
0x60: {  	_ =	shalt  }
0x61: {  	_ =	shalt  }
0x62: {  	_ =	shalt  }
0x63: {  	_ =	shalt  }
0x64: {  	_ =	shalt  }
0x65: {  	_ =	shalt  }
0x66: {  	_ =	shalt  }
0x67: {  	_ =	shalt  }
0x68: {  	_ =	shalt  }
0x69: {  	_ =	shalt  }
0x6a: {  	_ =	shalt  }
0x6b: {  	_ =	shalt  }
0x6c: {  	_ =	shalt  }
0x6d: {  	_ =	shalt  }
0x6e: {  	_ =	shalt  }
0x6f: {  	_ =	shalt  }
0x70: {  	_ =	shalt  }
0x71: {  	_ =	shalt  }
0x72: {  	_ =	shalt  }
0x73: {  	_ =	shalt  }
0x74: {  	_ =	shalt  }
0x75: {  	_ =	shalt  }
0x76: {  	_ =	shalt  }
0x77: {  	_ =	shalt  }
0x78: {  	_ =	shalt  }
0x79: {  	_ =	shalt  }
0x7a: {  	_ =	shalt  }
0x7b: {  	_ =	shalt  }
0x7c: {  	_ =	shalt  }
0x7d: {  	_ =	shalt  }
0x7e: {  	_ =	shalt  }
0x7f: {  	_ =	shalt  }
0x80: {  	_ =	shalt  }
0x81: {  	_ =	shalt  }
0x82: {  	_ =	shalt  }
0x83: {  	_ =	shalt  }
0x84: {  	_ =	shalt  }
0x85: {  	_ =	shalt  }
0x86: {  	_ =	shalt  }
0x87: {  	_ =	shalt  }
.Lfunc_end0:
.L_simem_size_0:
called_computation_lowered:
.L_overlay_start_0:
0x88: {  	s2 =	sld [smem:$0x3FD9]  }
0x89: {  	s3 =	sld [smem:$0x3FFE];
	_ =	sdelay $0x1  }
0x8a: {  	s1 =	srdreg.scid  }
0x8b: {  	s0 =	sand.u32 $0x1, s1  }
0x8c: {  	s17 =	sshll.u32 s0, $0xA;
	s2 =	sadd.s32 s3, s2  }
0x8d: {  	s2 =	sadd.s32 s2, s17  }
0x8e: {  	[smem:$0x3FC3] =	sst s2  }
0x8f: {  	_ = 	snop  }
0x90: {  	s2 =	sld [smem:$0x3FC6]  }
0x91: {  	s18 =	sld [smem:$0x3FC5]  }
0x92: {  	s4 =	sld [smem:$0x3FD0];
	(tm) =	ssettm $0x1  }
0x93: {  	s5 =	sld [smem:$0x3FFB];
	_ =	sdelay $0x3  }
0x94: {  	_ =	strace s5  }
0x95: {  	s5 =	sld [smem:$0x3FFC];
	_ =	sdelay $0x3  }
0x96: {  	_ =	strace s5  }
0x97: {  	s5 =	sld [smem:$0x3FFD];
	_ =	sdelay $0x3  }
0x98: {  	_ =	strace s5  }
0x99: {  	_ =	strace $0x8FFFFFFF  }
0x9a: {  	s19 =	sld [smem:$0x3FDB];
	_ =	sdelay $0x1  }
0x9b: {  	s6 =	simm.s32 $_scs_section_size  }
0x9c: {  	s7 =	simm.s32 $_size__tile_overlayer_lowered;
	s8 =	simm.s32 $_tile_overlayer_lowered  }
0x9d: {  	s22 =	simm.s32 $0x1BFF;
	s21 =	sshll.u32 s8, $0x1;
	s5 =	sadd.s32 s6, s19  }
0x9e: {  	s9 =	simm.s32 $0x0;
	s20 =	sshll.u32 s7, $0x1;
	s7 =	sadd.s32 s21, s5  }
0x9f: {  	[timem:s9], [sflag:s22] =	dma.local [hbm:s7], s20  }
0xa0: {  	_ =	swait.ge [sflag:s22], s20  }
0xa1: {  	s6 =	ssub.s32 $0x0, s20;
	[sflag:s22] =	ssyncset.done $0x0  }
0xa2: {  	[sflag:s22] =	ssyncadd.s32 s6;
	_ =	sdelay $0x1  }
0xa3: {  	s23 =	simm.s32 $0x1B8B  }
0xa4: {  	_ =	swait.ge [sflag:s23], $0x1  }
0xa5: {  	[sflag:s23] =	ssyncset.done $0x0  }
0xa6: {  	s25 =	simm.s32 $0x1B8E;
	s24 =	sld [smem:$0x3FFE];
	[sflag:s23] =	ssyncadd.s32 $0xFFFFFFFF  }
0xa7: {  	s26 =	simm.s32 $execute0_lowered;
	[smem:$0x3FD2] =	sst s25  }
0xa8: {  	s7 =	sshll.u32 s26, $0x1;
	_ =	strace $0x80000046;
	[dreg:$0x1] =	wrdreg $0xFFFFFFFF  }
0xa9: {  	s28 =	simm.s32 $_size_execute0_lowered;
	s5 =	sadd.s32 s5, s7;
	[dreg:$0x0] =	wrdreg $0x0  }
0xaa: {  	s7 =	sshll.u32 s28, $0x1;
	[dreg:$0x2] =	wrdreg s5  }
0xab: {  	[dreg:$0x3] =	wrdreg s7  }
0xac: {  	[dreg:$0x4] =	wrdreg $0xC0  }
0xad: {  	_ =	task [dreg:s9], $0x5FFFF  }
0xae: {  	[dreg:$0x1] =	wrdreg $0xFFFFFFFF  }
0xaf: {  	[dreg:$0x0] =	wrdreg $0x60  }
0xb0: {  	[dreg:$0x2] =	wrdreg s24  }
0xb1: {  	[dreg:$0x3] =	wrdreg s2  }
0xb2: {  	[dreg:$0x4] =	wrdreg s18  }
0xb3: {  	[dreg:$0x5] =	wrdreg s4  }
0xb4: {  	[dreg:$0x6] =	wrdreg $0x9  }
0xb5: {  	_ =	task.clear_ibuf [dreg:s9], $0x7FFFF;
	_ =	strace $0x90000046  }
0xb6: {  	s29 =	simm.s32 $0x9;
	_ =	strace $0x80000048  }
0xb7: {  	_ =	swait.ge [sflag:s29], $0x1  }
0xb8: {  	[sflag:s29] =	ssyncadd.s32 $0xFFFFFFFF  }
0xb9: {  	_ =	strace $0x90000048  }
0xba: {  	_ =	sfence  }
0xbb: {  	s30 =	sld [smem:$0x0];
	_ =	sdelay $0x2  }
0xbc: {  	s31 =	sshll.u32 s1, $0xD;
	s1 =	sshrl.u32 s1, $0x2  }
0xbd: {  	s3 =	sand.u32 $0x4000, s31;
	s1 =	sadd.s32 s1, s30  }
0xbe: {  	s0 =	sor.u32 s3, s0;
	s1 =	sshll.u32 s1, $0x11  }
0xbf: {  	s0 =	sor.u32 s1, s0  }
0xc0: {  	s0 =	sadd.s32 $0x8F2B, s0  }
0xc1: {  	[sflag:s0] =	ssyncadd.remote.s32 $0x1  }
0xc2: {  	_ =	sfence.sel $0xFFFF  }
0xc3: {  	[dreg:$0x0] =	wrdreg $0xFFFFFFFF;
	(pc) =	sbr.abs _section_cstart, $3  }
0xc4: {  	[dreg:$0x1] =	wrdreg $0xFFFFFFFF  }
0xc5: {  	_ =	task.clear_ibuf [dreg:s9], $0x2FFFF;
	_ =	strace $0x9FFFFFFF  }
0xc6: {  	(tm) =	ssettm $0x7FFFFFFF  }
0xc7: {  	_ =	shalt  }
tec
execute0_lowered:
.L_overlay_start_1:
0x0: {  	(tag) =	ssettag $0x1  }
0x1: {  	v0 =	vimm.s32 $0xFEDCBA98;
	s5 =	rddreg [dreg:$0x0];
	v1 =	vimm.s32 $0x76543210  }
0x2: {  	s2 =	srdreg.scid;
	s1 =	rddreg [dreg:$0x1];
	v2 =	vimm.s32 $0xBA98FEDC;
	v3 =	vimm.s32 $0x32107654;
	v4 =	vimm.s32 $0xDCFE98BA  }
0x3: {  	s0 =	stileid.u32;
	s8 =	rddreg [dreg:$0x3];
	v5 =	vimm.s32 $0x54761032;
	v6 =	vimm.s32 $0xEFCDAB89;
	v7 =	vimm.s32 $0x67452301  }
0x4: {  	s4 =	simm.s32 $0x0;
	s11 =	simm.s32 $0x600;
	s12 =	simm.s32 $0x40;
	v0 =	vunpack.c.l.s4.s8 v0;
	v1 =	vunpack.c.l.s4.s8 v1;
	v2 =	vunpack.c.l.s4.s8 v2  }
0x5: {  	s13 =	simm.s32 $0x400;
	s14 =	simm.s32 $0x8600;
	s15 =	simm.s32 $0xC600;
	v3 =	vunpack.c.l.s4.s8 v3;
	v4 =	vunpack.c.l.s4.s8 v4;
	v5 =	vunpack.c.l.s4.s8 v5  }
0x6: {  	s16 =	simm.s32 $0x2;
	s6 =	sand.u32 $0x1, s2;
	s2 =	rddreg [dreg:$0x2];
	v6 =	vunpack.c.l.s4.s8 v6;
	v7 =	vunpack.c.l.s4.s8 v7;
	v0 =	vunpack.c.0.s8.s32 v0  }
0x7: {  	s17 =	simm.s32 $0x0;
	s3 =	sshll.u32 s0, $0x1;
	[smem:$0x7FF] =	sst s4;
	v2 =	vunpack.c.0.s8.s32 v2;
	v3 =	vunpack.c.0.s8.s32 v3;
	v4 =	vunpack.c.0.s8.s32 v4  }
0x8: {  	s7 =	sor.u32 s6, s3;
	s3 =	rddreg [dreg:$0x4];
	s6 =	ssub.s32 $0x2, s6;
	v5 =	vunpack.c.0.s8.s32 v5;
	v6 =	vunpack.c.0.s8.s32 v6;
	v7 =	vunpack.c.0.s8.s32 v7  }
0x9: {  	s9 =	smul.u32 $0xC0, s7;
	s31 =	sshrl.u32 s6, $0x1;
	s7 =	sshll.u32 s7, $0x6;
	v1 =	vunpack.c.0.s8.s32 v1;
	v2 =	vcombine.low v3, v2  }
0xa: {  	_ =	strace $0x80000047;
	s10 =	ssub.s32 s6, s31;
	s7 =	sadd.s32 s8, s7;
	v3 =	vcombine.low v5, v4;
	v4 =	vcombine.low v7, v6;
	v0 =	vand.u32 $0xF, v0  }
0xb: {  	s9 =	sadd.s32 s9, s5;
	s8 =	smax.u32 s10, $0x1;
	s10 =	simm.s32 $0x80;
	v0 =	vcombine.low v0, v1;
	v1 =	vand.u32 $0xF, v2  }
0xc: {  	s5 =	sadd.s32 $0x400, s9;
	s6 =	sadd.s32 $0x410, s9;
	s9 =	simm.s32 $0x3;
	v2 =	vand.u32 $0xF, v3;
	v3 =	vand.u32 $0xF, v4;
	v4 =	vlaneseq.u32  }
.LBB2_1:
0xd: {  	[tilespmem:s4], [sflag:$0x3] =	stream.linear.gather [hbm4b:s5+s4], $0x80, $0x38;
	[tilespmem:$0xC800] =	vst v63  }
0xe: {  	_ =	swait.ge [sflag:s9], $0x80  }
0xf: {  	[sflag:s9] =	ssyncset.done $0x0  }
0x10: {  	[sflag:s9] =	ssyncadd.s32 $0xFFFFFF80  }
0x11: {  	[tilespmem:s11], [sflag:$0x1] =	stream.indirect.gather [hbm4b:s1+s10], $0x80, s4, s10, $0xb8;
	[tilespmem:$0xC800] =	vst v63  }
0x12: {  	_ = 	snop  }
0x13: {  	[tilespmem:s10], [sflag:$0x3] =	stream.linear.gather [hbm4b:s6+s4], $0x580, $0x38;
	[tilespmem:$0xC800] =	vst v63  }
0x14: {  	_ =	swait.ge [sflag:s9], $0x580  }
0x15: {  	[sflag:s9] =	ssyncset.done $0x0  }
0x16: {  	p0 =	por $0x0, $0x0;
	s18 =	simm.s32 $0x0;
	[sflag:s9] =	ssyncadd.s32 $0xFFFFFA80  }
0x17: {  	[tilespmem:s14], [sflag:$0x1] =	stream.indirect.gather [hbm4b:s2+s12], $0x80, s13, s12, $0xb8;
	[tilespmem:$0xC800] =	vst v63  }
.LBB2_2:
0x18: {  	s19 =	sand.u32 $0x1, s18  }
0x19: {  	p1 =	seq.s32 s19, $0x1  }
0x1a: {  	s20 =	simm.s32 @!p1 $0x1  }
0x1b: {  	_ =	swait.ge @!p1 [sflag:s20], $0x4000  }
0x1c: {  	[sflag:s20] =	ssyncset.done @!p1 $0x0  }
0x1d: {  	[sflag:s20] =	ssyncadd.s32 @!p1 $0xFFFFC000  }
0x1e: {  	_ =	swait.ge @!p1 [sflag:s20], $0x2000  }
0x1f: {  	s21 =	sor.u32 @!p1 $0x1, s18;
	[sflag:s20] =	ssyncset.done @!p1 $0x0  }
0x20: {  	[sflag:s20] =	ssyncadd.s32 @!p1 $0xFFFFE000;
	s20 =	sshll.u32 @!p1 s21, $0x7  }
0x21: {  	s22 =	simm.s32 @!p1 $0x80;
	s23 =	simm.s32 @!p1 $0x4600;
	s20 =	sand.u32 @!p1 $0x3FFFFF80, s20  }
0x22: {  	[tilespmem:s23], [sflag:$0x2] =	stream.indirect.gather @!p1 [hbm4b:s1+s22], $0x80, s20, s22, $0xb8;
	[tilespmem:$0xC800] =	vst v63  }
0x23: {  	s20 =	sshll.u32 @!p1 s21, $0x6  }
0x24: {  	p2 =	seq.s32 @!p1 s19, $0x0;
	s20 =	sand.u32 @!p1 $0x3FFFFFC0, s20  }
0x25: {  	s21 =	simm.s32 @!p1 $0x40;
	s22 =	simm.s32 @!p1 $0xA600;
	s20 =	sadd.s32 @!p1 $0x400, s20  }
0x26: {  	[tilespmem:s22], [sflag:$0x2] =	stream.indirect.gather @!p1 [hbm4b:s2+s21], $0x80, s20, s21, $0xb8;
	[tilespmem:$0xC800] =	vst v63  }
0x27: {  	p1 =	por p1, !p2  }
.Ltmp0:
0x28: {  	_ = 	snop;
	(pc) =	sbr.rel @!p1 .LBB2_4-.Ltmp0, $1  }
0x29: {  	_ =	sdelay $0x3  }
0x2a: {  	_ =	swait.ge [sflag:s16], $0x4000  }
0x2b: {  	p1 =	seq.s32 s18, $0x7;
	[sflag:s16] =	ssyncset.done $0x0  }
0x2c: {  	s19 =	sadd.s32 @!p1 $0x1, s18;
	[sflag:s16] =	ssyncadd.s32 $0xFFFFC000  }
0x2d: {  	s21 =	simm.s32 @!p1 $0x80;
	s20 =	sshll.u32 @!p1 s19, $0x7;
	_ =	swait.ge [sflag:s16], $0x2000  }
0x2e: {  	s19 =	sshll.u32 @!p1 s19, $0x6;
	s20 =	sand.u32 @!p1 $0x3FFFFF80, s20;
	[sflag:s16] =	ssyncset.done $0x0  }
0x2f: {  	s22 =	simm.s32 @!p1 $0x600;
	s19 =	sand.u32 @!p1 $0x3FFFFFC0, s19;
	[sflag:s16] =	ssyncadd.s32 $0xFFFFE000  }
0x30: {  	[tilespmem:s22], [sflag:$0x1] =	stream.indirect.gather @!p1 [hbm4b:s1+s21], $0x80, s20, s21, $0xb8;
	[tilespmem:$0xC800] =	vst v63  }
0x31: {  	s19 =	sadd.s32 @!p1 $0x400, s19;
	s20 =	simm.s32 @!p1 $0x40;
	s21 =	simm.s32 @!p1 $0x8600  }
0x32: {  	[tilespmem:s21], [sflag:$0x1] =	stream.indirect.gather @!p1 [hbm4b:s2+s20], $0x80, s19, s20, $0xb8;
	[tilespmem:$0xC800] =	vst v63  }
.LBB2_4:
0x33: {  	s19 =	simm.s32 $0x1  }
0x34: {  	s19 =	simm.s32 @!p0 $0x0  }
0x35: {  	s20 =	sshll.u32 s19, $0xE  }
0x36: {  	s21 =	sshll.u32 s19, $0xD;
	s19 =	sor.u32 $0x2600, s20  }
0x37: {  	s20 =	sor.u32 $0x8700, s21;
	v8 =	vld [tilespmem:s19+$0xFFFFE0D0]  }
0x38: {  	v9 =	vld [tilespmem:s20+$0xFFFFFFD0]  }
0x39: {  	v10 =	vld [tilespmem:s19+$0xD0]  }
0x3a: {  	v6 =	vld [tilespmem:s20+$0xFFFFFFE0]  }
0x3b: {  	v11 =	vld [tilespmem:s19+$0x50]  }
0x3c: {  	v12 =	vld [tilespmem:s20+$0xFFFFFF50]  }
0x3d: {  	v13 =	vld [tilespmem:s19+$0xFFFFE050]  }
0x3e: {  	v14 =	vld [tilespmem:s19+$0x10]  }
0x3f: {  	v15 =	vld [tilespmem:s20+$0xFFFFFF10]  }
0x40: {  	v16 =	vld [tilespmem:s19+$0xC0]  }
0x41: {  	v17 =	vld [tilespmem:s19+$0x170]  }
0x42: {  	v18 =	vld [tilespmem:s20+$0x70]  }
0x43: {  	v19 =	vld [tilespmem:s19+$0xFFFFE170]  }
0x44: {  	v20 =	vld [tilespmem:s20+$0xFFFFFFC0]  }
0x45: {  	v21 =	vld [tilespmem:s19+$0xFFFFE0C0]  }
0x46: {  	v7 =	vld [tilespmem:s20+$0xFFFFFF40]  }
0x47: {  	v22 =	vld [tilespmem:s19+$0x150]  }
0x48: {  	v23 =	vld [tilespmem:s20+$0x50]  }
0x49: {  	v24 =	vld [tilespmem:s19+$0xFFFFE150]  }
0x4a: {  	v25 =	vld [tilespmem:s19+$0xFFFFE010]  }
0x4b: {  	v26 =	vld [tilespmem:s19+$0x120]  }
0x4c: {  	v27 =	vld [tilespmem:s20+$0x20]  }
0x4d: {  	v28 =	vld [tilespmem:s19+$0xFFFFE120]  }
0x4e: {  	v29 =	vld [tilespmem:s20+$0x30]  }
0x4f: {  	v30 =	vld [tilespmem:s19+$0x1B0]  }
0x50: {  	v31 =	vld [tilespmem:s19+$0x1C0]  }
0x51: {  	v32 =	vld [tilespmem:s20+$0xE0]  }
0x52: {  	v33 =	vld [tilespmem:s19+$0xFFFFE1E0]  }
0x53: {  	v34 =	vld [tilespmem:s20+$0xC0]  }
0x54: {  	v35 =	vld [tilespmem:s20+$0xD0]  }
0x55: {  	v36 =	vld [tilespmem:s20+$0x40]  }
0x56: {  	v37 =	vld [tilespmem:s19+$0x160]  }
0x57: {  	v38 =	vld [tilespmem:s19+$0xFFFFE1F0]  }
0x58: {  	v39 =	vld [tilespmem:s20+$0xFFFFFF30]  }
0x59: {  	v40 =	vld [tilespmem:s19+$0x1F0]  }
0x5a: {  	v41 =	vld [tilespmem:s20+$0x60]  }
0x5b: {  	v42 =	vld [tilespmem:s19+$0xFFFFE160]  }
0x5c: {  	v43 =	vld [tilespmem:s20+$0xF0]  }
0x5d: {  	v44 =	vld [tilespmem:s19+$0x140]  }
0x5e: {  	v45 =	vld [tilespmem:s19+$0xFFFFE140]  }
0x5f: {  	v46 =	vld [tilespmem:s19+$0x1E0]  }
0x60: {  	v47 =	vld [tilespmem:s19+$0x1D0]  }
0x61: {  	v48 =	vld [tilespmem:s19+$0xFFFFE1D0]  }
0x62: {  	v49 =	vld [tilespmem:s19+$0x130]  }
0x63: {  	v50 =	vld [tilespmem:s19+$0xFFFFE1C0]  }
0x64: {  	v51 =	vld [tilespmem:s19+$0x110]  }
0x65: {  	v52 =	vld [tilespmem:s20+$0xB0]  }
0x66: {  	v53 =	vld [tilespmem:s19+$0xFFFFE1B0]  }
0x67: {  	v54 =	vld [tilespmem:s19+$0xA0]  }
0x68: {  	v55 =	vld [tilespmem:s19+$0x1A0]  }
0x69: {  	v56 =	vld [tilespmem:s20+$0xA0]  }
0x6a: {  	v57 =	vld [tilespmem:s19+$0xFFFFE1A0]  }
0x6b: {  	v58 =	vld [tilespmem:s19+$0x180]  }
0x6c: {  	v59 =	vld [tilespmem:s19+$0x190]  }
0x6d: {  	v60 =	vld [tilespmem:s19+$0xFFFFE0A0]  }
0x6e: {  	v63 =	vld [tilespmem:s20+$0x10]  }
0x6f: {  	v8 =	vadd.f32 v9, v8;
	v9 =	vadd.f32 v12, v13;
	v12 =	vld [tilespmem:s20+$0x90]  }
0x70: {  	v13 =	vld [tilespmem:s19+$0xFFFFE190]  }
0x71: {  	v61 =	vadd.f32 v43, v38;
	v38 =	vadd.f32 v36, v45;
	v45 =	vld [tilespmem:s20+$0x0]  }
0x72: {  	v43 =	vadd.f32 v34, v50;
	v50 =	vadd.f32 v52, v53;
	v53 =	vld [tilespmem:s20+$0xFFFFFF20]  }
0x73: {  	v24 =	vadd.f32 v23, v24;
	v52 =	vadd.f32 v56, v57;
	v56 =	vld [tilespmem:s19+$0xFFFFE020]  }
0x74: {  	v28 =	vadd.f32 v27, v28;
	v62 =	vadd.f32 v32, v33;
	v57 =	vld [tilespmem:s20+$0xFFFFFF90]  }
0x75: {  	v8 =	vsub.f32 v8, v10;
	v10 =	vadd.f32 v18, v19;
	v18 =	vld [tilespmem:s20+$0x80]  }
0x76: {  	v9 =	vsub.f32 v9, v11;
	v11 =	vadd.f32 v20, v21;
	v20 =	vld [tilespmem:s19+$0xFFFFE130]  }
0x77: {  	v21 =	vld [tilespmem:s20+$0xFFFFFFA0];
	v19 =	vsub.f32 v28, v26;
	v23 =	vsub.f32 v61, v40  }
0x78: {  	v27 =	vsub.f32 v38, v44;
	v31 =	vsub.f32 v43, v31;
	v40 =	vld [tilespmem:s19+$0xFFFFE080]  }
0x79: {  	v44 =	vld [tilespmem:s19+$0xFFFFE030];
	v17 =	vsub.f32 v10, v17;
	v10 =	vsub.f32 v11, v16  }
0x7a: {  	v11 =	vadd.f32 v15, v25;
	v15 =	vld [tilespmem:s19+$0xFFFFE180];
	v16 =	vsub.f32 v24, v22  }
0x7b: {  	v24 =	vld [tilespmem:s19+$0x100];
	v25 =	vsub.f32 v62, v46;
	v12 =	vadd.f32 v12, v13  }
0x7c: {  	v46 =	vld [tilespmem:s19+$0x90];
	v11 =	vsub.f32 v11, v14;
	v14 =	vadd.f32 v41, v42  }
0x7d: {  	v41 =	vld [tilespmem:s19+$0xFFFFE110];
	v42 =	vadd.f32 v35, v48;
	v12 =	vsub.f32 v12, v59  }
0x7e: {  	v62 =	vld [tilespmem:s20+$0xFFFFFF00];
	v31 =	vand.u32 $0x7FFFFFFF, v31;
	v20 =	vadd.f32 v29, v20;
	v21 =	vadd.f32 v21, v60  }
0x7f: {  	v19 =	vand.u32 $0x7FFFFFFF, v19;
	v59 =	vld [tilespmem:s19+$0xFFFFE090];
	v14 =	vsub.f32 v14, v37;
	v32 =	vsub.f32 v42, v47  }
0x80: {  	v23 =	vand.u32 $0x7FFFFFFF, v23;
	v42 =	vadd.f32 v53, v56;
	v13 =	vadd.f32 v18, v15;
	v15 =	vld [tilespmem:s19+$0xFFFFE100]  }
0x81: {  	v48 =	vld [tilespmem:s19+$0x20];
	v25 =	vand.u32 $0x7FFFFFFF, v25;
	v18 =	vsub.f32 v50, v30;
	v20 =	vsub.f32 v20, v49  }
0x82: {  	v16 =	vand.u32 $0x7FFFFFFF, v16;
	v13 =	vsub.f32 v13, v58;
	v60 =	vadd.f32 v63, v41;
	v63 =	vld [tilespmem:s19+$0xFFFFE000]  }
0x83: {  	v12 =	vand.u32 $0x7FFFFFFF, v12;
	v21 =	vsub.f32 v21, v54;
	v58 =	vsub.f32 v52, v55;
	v41 =	vld [tilespmem:s19+$0x0]  }
0x84: {  	v52 =	vadd.f32 v39, v44;
	v55 =	vld [tilespmem:s19+$0xFFFFE0E0];
	v29 =	vadd.f32 v57, v59;
	v13 =	vand.u32 $0x7FFFFFFF, v13  }
0x85: {  	v17 =	vand.u32 $0x7FFFFFFF, v17;
	v57 =	vld [tilespmem:s19+$0xE0];
	v12 =	vadd.f32 v12, v13;
	v15 =	vadd.f32 v45, v15  }
0x86: {  	v61 =	vand.u32 $0x7FFFFFFF, v58;
	v22 =	vsub.f32 v60, v51;
	v13 =	vld [tilespmem:s20+$0xFFFFFF80];
	v29 =	vsub.f32 v29, v46  }
0x87: {  	v43 =	vld [tilespmem:s19+$0x80];
	v18 =	vand.u32 $0x7FFFFFFF, v18;
	v12 =	vadd.f32 v61, v12;
	v15 =	vsub.f32 v15, v24  }
0x88: {  	v47 =	vld [tilespmem:s20+$0xFFFFFFB0];
	v22 =	vand.u32 $0x7FFFFFFF, v22;
	v24 =	vsub.f32 v42, v48;
	v26 =	vadd.f32 v62, v63  }
0x89: {  	v45 =	vld [tilespmem:s19+$0xFFFFE0B0];
	v6 =	vadd.f32 v6, v55;
	v12 =	vadd.f32 v18, v12;
	v15 =	vand.u32 $0x7FFFFFFF, v15  }
0x8a: {  	v11 =	vand.u32 $0x7FFFFFFF, v11;
	v48 =	vld [tilespmem:s19+$0xFFFFE040];
	v18 =	vsub.f32 v26, v41;
	v15 =	vadd.f32 v22, v15  }
0x8b: {  	v5 =	vld [tilespmem:s20+$0xFFFFFFF0];
	v32 =	vand.u32 $0x7FFFFFFF, v32;
	v6 =	vsub.f32 v6, v57;
	v13 =	vadd.f32 v13, v40  }
0x8c: {  	v49 =	vld [tilespmem:s19+$0xB0];
	v12 =	vadd.f32 v31, v12;
	v18 =	vand.u32 $0x7FFFFFFF, v18;
	v15 =	vadd.f32 v19, v15  }
0x8d: {  	v53 =	vld [tilespmem:s20+$0xFFFFFF60];
	v20 =	vand.u32 $0x7FFFFFFF, v20;
	v13 =	vsub.f32 v13, v43;
	v11 =	vadd.f32 v11, v18  }
0x8e: {  	v50 =	vand.u32 $0x7FFFFFFF, v27;
	v46 =	vld [tilespmem:s19+$0x30];
	v12 =	vadd.f32 v32, v12;
	v15 =	vadd.f32 v20, v15  }
0x8f: {  	v56 =	vld [tilespmem:s20+$0xFFFFFF70];
	v29 =	vand.u32 $0x7FFFFFFF, v29;
	v19 =	vadd.f32 v47, v45;
	v7 =	vadd.f32 v7, v48  }
0x90: {  	v51 =	vld [tilespmem:s19+$0x40];
	v13 =	vand.u32 $0x7FFFFFFF, v13;
	v12 =	vadd.f32 v25, v12;
	v15 =	vadd.f32 v50, v15  }
0x91: {  	v54 =	vld [tilespmem:s19+$0xFFFFE060];
	v14 =	vand.u32 $0x7FFFFFFF, v14;
	v19 =	vsub.f32 v19, v49;
	v13 =	vadd.f32 v29, v13  }
0x92: {  	v21 =	vand.u32 $0x7FFFFFFF, v21;
	v59 =	vld [tilespmem:s19+$0xFFFFE070];
	v12 =	vadd.f32 v23, v12;
	v15 =	vadd.f32 v16, v15  }
0x93: {  	v58 =	vld [tilespmem:s19+$0x60];
	v24 =	vand.u32 $0x7FFFFFFF, v24;
	v23 =	vsub.f32 v52, v46;
	v13 =	vadd.f32 v21, v13  }
0x94: {  	v11 =	vadd.f32 v24, v11;
	v19 =	vand.u32 $0x7FFFFFFF, v19;
	v14 =	vadd.f32 v14, v15;
	v15 =	vld [tilespmem:s19+$0xFFFFE0F0]  }
0x95: {  	v60 =	vld [tilespmem:s19+$0x70];
	v7 =	vsub.f32 v7, v51;
	v23 =	vand.u32 $0x7FFFFFFF, v23;
	v13 =	vadd.f32 v19, v13  }
0x96: {  	v10 =	vand.u32 $0x7FFFFFFF, v10;
	v61 =	vld [tilespmem:s19+$0xF0];
	v18 =	vadd.f32 v53, v54;
	v11 =	vadd.f32 v23, v11  }
0x97: {  	v7 =	vand.u32 $0x7FFFFFFF, v7;
	v10 =	vadd.f32 v10, v13;
	v13 =	vadd.f32 v56, v59  }
0x98: {  	v8 =	vand.u32 $0x7FFFFFFF, v8;
	v14 =	vadd.f32 v17, v14;
	v7 =	vadd.f32 v7, v11  }
0x99: {  	v9 =	vand.u32 $0x7FFFFFFF, v9;
	v11 =	vsub.f32 v18, v58;
	v5 =	vadd.f32 v5, v15  }
0x9a: {  	v6 =	vand.u32 $0x7FFFFFFF, v6;
	v8 =	vadd.f32 v8, v10;
	v7 =	vadd.f32 v9, v7  }
0x9b: {  	v10 =	vsub.f32 v13, v60;
	v9 =	vand.u32 $0x7FFFFFFF, v11;
	v5 =	vsub.f32 v5, v61  }
0x9c: {  	v11 =	vperm.xlane v12, v0;
	v6 =	vadd.f32 v6, v8;
	v7 =	vadd.f32 v9, v7  }
0x9d: {  	v8 =	vperm.xlane v14, v0;
	v9 =	vand.u32 $0x7FFFFFFF, v10;
	v5 =	vand.u32 $0x7FFFFFFF, v5  }
0x9e: {  	v7 =	vadd.f32 v9, v7;
	v5 =	vadd.f32 v5, v6  }
0x9f: {  	v8 =	vadd.f32 v14, v8;
	v6 =	vadd.f32 v12, v11  }
0xa0: {  	v9 =	vperm.xlane v7, v0;
	v10 =	vperm.xlane v5, v0  }
0xa1: {  	v12 =	vperm.xlane v8, v1;
	v11 =	vperm.xlane v6, v1  }
0xa2: {  	v7 =	vadd.f32 v7, v9;
	v5 =	vadd.f32 v5, v10  }
0xa3: {  	v8 =	vadd.f32 v8, v12;
	v6 =	vadd.f32 v6, v11  }
0xa4: {  	v9 =	vperm.xlane v7, v1;
	v10 =	vperm.xlane v5, v1  }
0xa5: {  	v12 =	vperm.xlane v8, v2;
	v11 =	vperm.xlane v6, v2  }
0xa6: {  	v7 =	vadd.f32 v7, v9;
	v10 =	vadd.f32 v5, v10  }
0xa7: {  	s31 =	sshll.u32 s18, $0x6;
	v8 =	vadd.f32 v8, v12;
	v11 =	vadd.f32 v6, v11  }
0xa8: {  	s21 =	sand.u32 $0x3FFFFFC0, s31;
	v6 =	vperm.xlane v7, v2;
	v12 =	vperm.xlane v10, v2  }
0xa9: {  	s22 =	sadd.s32 $0xC600, s21;
	s21 =	simm.s32 $0x0;
	v9 =	vimm.f32 $0.0e+00;
	v14 =	vperm.xlane v8, v3;
	v13 =	vperm.xlane v11, v3  }
0xaa: {  	v5 =	vmov s22;
	s22 =	sand.u32 $0xC, s21;
	v15 =	vadd.f32 v7, v6;
	v62 =	vadd.f32 v10, v12  }
0xab: {  	s23 =	sor.u32 $0x1, s22;
	v6 =	vmov s22;
	v10 =	vadd.f32 v11, v13;
	v11 =	vadd.f32 v8, v14  }
0xac: {  	s24 =	sor.u32 $0x2, s22;
	v7 =	vmov s23;
	v13 =	vperm.xlane v15, v3;
	v63 =	vperm.xlane v62, v3  }
0xad: {  	s25 =	sor.u32 $0x3, s22;
	v8 =	vmov s24;
	v12 =	vsub.f32 $0.0e+00, v11;
	v11 =	vsub.f32 $0.0e+00, v10  }
0xae: {  	s23 =	simm.s32 $0x10;
	s24 =	simm.s32 $0x4;
	v10 =	vmov s25;
	v14 =	vadd.f32 v15, v13;
	v13 =	vadd.f32 v62, v63  }
.LBB2_5:
0xaf: {  	s20 =	sadd.s32 $0x200, s20  }
0xb0: {  	s19 =	sadd.s32 $0x200, s19;
	s25 =	smov.u32 s23;
	s23 =	sadd.s32 $0x10, s23  }
0xb1: {  	s26 =	sand.u32 $0xC, s24;
	p1 =	sne.s32 s23, $0x100;
	v14 =	vsub.f32 $0.0e+00, v14  }
0xb2: {  	vm0 =	veq.s32 v6, v4;
	s28 =	sor.u32 $0x1, s26;
	s29 =	sor.u32 $0x2, s26;
	s30 =	sor.u32 $0x3, s26;
	v6 =	vmov s26;
	v13 =	vsub.f32 $0.0e+00, v13  }
0xb3: {  	v9 =	vsel vm0, v14, v9;
	vm0 =	veq.s32 v7, v4;
	v7 =	vmov s28  }
0xb4: {  	p2 =	sne.s32 s22, $0xC;
	s22 =	smov.u32 s26;
	v9 =	vsel vm0, v13, v9;
	vm0 =	veq.s32 v8, v4;
	v8 =	vmov s29  }
0xb5: {  	s26 =	sand.u32 @!p2 $0xC0, s21;
	s21 =	smov.u32 s25;
	v9 =	vsel vm0, v12, v9;
	vm0 =	veq.s32 v10, v4;
	v10 =	vmov s30  }
0xb6: {  	s25 =	sshrl.u32 @!p2 s26, $0x2;
	v9 =	vsel vm0, v11, v9  }
0xb7: {  	[tilespmem:v5+s25+$0x0 ss:$0x1] =	vst.idx.msk @!p2 $0xffff, v9  }
0xb8: {  	v13 =	vld [tilespmem:s19+$0xFFFFE0D0]  }
0xb9: {  	v14 =	vld [tilespmem:s20+$0xFFFFFFD0]  }
0xba: {  	v11 =	vld [tilespmem:s20+$0xFFFFFFF0]  }
0xbb: {  	v15 =	vld [tilespmem:s19+$0xD0]  }
0xbc: {  	v12 =	vld [tilespmem:s20+$0xFFFFFFE0]  }
0xbd: {  	v16 =	vld [tilespmem:s19+$0x50]  }
0xbe: {  	v18 =	vld [tilespmem:s20+$0xFFFFFF50];
	v13 =	vadd.f32 v14, v13  }
0xbf: {  	v14 =	vld [tilespmem:s19+$0xFFFFE050]  }
0xc0: {  	v19 =	vld [tilespmem:s19+$0x10];
	v17 =	vsub.f32 v13, v15  }
0xc1: {  	v21 =	vld [tilespmem:s20+$0xFFFFFF10]  }
0xc2: {  	v22 =	vld [tilespmem:s19+$0xC0]  }
0xc3: {  	v20 =	vld [tilespmem:s19+$0x170]  }
0xc4: {  	v13 =	vadd.f32 v18, v14;
	v14 =	vld [tilespmem:s20+$0x70]  }
0xc5: {  	v18 =	vld [tilespmem:s19+$0xFFFFE170]  }
0xc6: {  	v13 =	vsub.f32 v13, v16;
	v16 =	vld [tilespmem:s20+$0xFFFFFFC0]  }
0xc7: {  	v23 =	vld [tilespmem:s19+$0xFFFFE0C0]  }
0xc8: {  	v15 =	vld [tilespmem:s20+$0xFFFFFF40]  }
0xc9: {  	v24 =	vld [tilespmem:s19+$0x150]  }
0xca: {  	v25 =	vld [tilespmem:s20+$0x50];
	v14 =	vadd.f32 v14, v18  }
0xcb: {  	v18 =	vld [tilespmem:s19+$0xFFFFE150]  }
0xcc: {  	v26 =	vld [tilespmem:s19+$0xFFFFE010];
	v16 =	vadd.f32 v16, v23;
	v20 =	vsub.f32 v14, v20  }
0xcd: {  	v23 =	vld [tilespmem:s19+$0x120]  }
0xce: {  	v14 =	vsub.f32 v16, v22;
	v22 =	vld [tilespmem:s20+$0x20]  }
0xcf: {  	v27 =	vld [tilespmem:s19+$0xFFFFE120]  }
0xd0: {  	v28 =	vld [tilespmem:s20+$0x30];
	v16 =	vadd.f32 v25, v18  }
0xd1: {  	v18 =	vadd.f32 v21, v26;
	v25 =	vld [tilespmem:s19+$0x1B0]  }
0xd2: {  	v16 =	vsub.f32 v16, v24;
	v24 =	vld [tilespmem:s19+$0x1C0]  }
0xd3: {  	v21 =	vsub.f32 v18, v19;
	v18 =	vld [tilespmem:s20+$0xE0]  }
0xd4: {  	v19 =	vadd.f32 v22, v27;
	v26 =	vld [tilespmem:s19+$0xFFFFE1E0]  }
0xd5: {  	v27 =	vld [tilespmem:s20+$0xC0]  }
0xd6: {  	v22 =	vsub.f32 v19, v23;
	v23 =	vld [tilespmem:s20+$0xD0]  }
0xd7: {  	v29 =	vld [tilespmem:s20+$0x40]  }
0xd8: {  	v30 =	vld [tilespmem:s19+$0x160]  }
0xd9: {  	v26 =	vadd.f32 v18, v26;
	v18 =	vld [tilespmem:s19+$0xFFFFE1F0]  }
0xda: {  	v19 =	vld [tilespmem:s20+$0xFFFFFF30]  }
0xdb: {  	v31 =	vld [tilespmem:s19+$0x1F0]  }
0xdc: {  	v32 =	vld [tilespmem:s20+$0x60]  }
0xdd: {  	v33 =	vld [tilespmem:s19+$0xFFFFE160]  }
0xde: {  	v34 =	vld [tilespmem:s20+$0xF0]  }
0xdf: {  	v35 =	vld [tilespmem:s19+$0x140]  }
0xe0: {  	v36 =	vld [tilespmem:s19+$0xFFFFE140]  }
0xe1: {  	v37 =	vld [tilespmem:s19+$0x1E0]  }
0xe2: {  	v32 =	vadd.f32 v32, v33;
	v33 =	vld [tilespmem:s19+$0x1D0]  }
0xe3: {  	v38 =	vld [tilespmem:s19+$0xFFFFE1D0];
	v34 =	vadd.f32 v34, v18  }
0xe4: {  	v39 =	vld [tilespmem:s19+$0x130];
	v18 =	vsub.f32 v32, v30  }
0xe5: {  	v29 =	vadd.f32 v29, v36;
	v30 =	vld [tilespmem:s19+$0xFFFFE1C0];
	v31 =	vsub.f32 v34, v31  }
0xe6: {  	v32 =	vld [tilespmem:s19+$0x110];
	v26 =	vsub.f32 v26, v37  }
0xe7: {  	v29 =	vsub.f32 v29, v35;
	v34 =	vld [tilespmem:s20+$0xB0]  }
0xe8: {  	v35 =	vld [tilespmem:s19+$0xFFFFE1B0];
	v23 =	vadd.f32 v23, v38  }
0xe9: {  	v36 =	vld [tilespmem:s19+$0xA0]  }
0xea: {  	v37 =	vld [tilespmem:s19+$0x1A0];
	v27 =	vadd.f32 v27, v30;
	v23 =	vsub.f32 v23, v33  }
0xeb: {  	v30 =	vld [tilespmem:s20+$0xA0]  }
0xec: {  	v33 =	vld [tilespmem:s19+$0xFFFFE1A0];
	v24 =	vsub.f32 v27, v24  }
0xed: {  	v27 =	vld [tilespmem:s19+$0x180];
	v34 =	vadd.f32 v34, v35  }
0xee: {  	v35 =	vld [tilespmem:s19+$0x190]  }
0xef: {  	v38 =	vld [tilespmem:s20+$0x90];
	v25 =	vsub.f32 v34, v25  }
0xf0: {  	v34 =	vld [tilespmem:s19+$0xFFFFE190]  }
0xf1: {  	v40 =	vld [tilespmem:s20+$0x80];
	v30 =	vadd.f32 v30, v33  }
0xf2: {  	v33 =	vld [tilespmem:s19+$0xFFFFE130]  }
0xf3: {  	v41 =	vld [tilespmem:s19+$0xFFFFE180];
	v30 =	vsub.f32 v30, v37  }
0xf4: {  	v37 =	vld [tilespmem:s20+$0xFFFFFFA0]  }
0xf5: {  	v42 =	vld [tilespmem:s19+$0xFFFFE0A0];
	v34 =	vadd.f32 v38, v34  }
0xf6: {  	v38 =	vld [tilespmem:s19+$0x100]  }
0xf7: {  	v43 =	vld [tilespmem:s20+$0x10];
	v28 =	vadd.f32 v28, v33;
	v33 =	vsub.f32 v34, v35  }
0xf8: {  	v34 =	vld [tilespmem:s19+$0xFFFFE110];
	v35 =	vadd.f32 v40, v41  }
0xf9: {  	v40 =	vld [tilespmem:s20+$0x0];
	v28 =	vsub.f32 v28, v39;
	v33 =	vand.u32 $0x7FFFFFFF, v33  }
0xfa: {  	v39 =	vld [tilespmem:s19+$0x90];
	v37 =	vadd.f32 v37, v42;
	v27 =	vsub.f32 v35, v27  }
0xfb: {  	v35 =	vld [tilespmem:s19+$0x20]  }
0xfc: {  	v36 =	vsub.f32 v37, v36;
	v37 =	vld [tilespmem:s19+$0xFFFFE100];
	v27 =	vand.u32 $0x7FFFFFFF, v27  }
0xfd: {  	v41 =	vld [tilespmem:s20+$0xFFFFFF20];
	v34 =	vadd.f32 v43, v34;
	v27 =	vadd.f32 v33, v27  }
0xfe: {  	v30 =	vand.u32 $0x7FFFFFFF, v30;
	v33 =	vld [tilespmem:s19+$0xFFFFE020]  }
0xff: {  	v42 =	vld [tilespmem:s20+$0xFFFFFF90];
	v32 =	vsub.f32 v34, v32;
	v27 =	vadd.f32 v30, v27  }
0x100: {  	v25 =	vand.u32 $0x7FFFFFFF, v25;
	v30 =	vld [tilespmem:s19+$0xFFFFE090]  }
0x101: {  	v34 =	vld [tilespmem:s20+$0xFFFFFF80];
	v37 =	vadd.f32 v40, v37;
	v32 =	vand.u32 $0x7FFFFFFF, v32;
	v25 =	vadd.f32 v25, v27  }
0x102: {  	v17 =	vand.u32 $0x7FFFFFFF, v17;
	v27 =	vld [tilespmem:s20+$0xFFFFFF00]  }
0x103: {  	v24 =	vand.u32 $0x7FFFFFFF, v24;
	v40 =	vld [tilespmem:s19+$0xFFFFE000];
	v33 =	vadd.f32 v41, v33;
	v37 =	vsub.f32 v37, v38  }
0x104: {  	v20 =	vand.u32 $0x7FFFFFFF, v20;
	v23 =	vand.u32 $0x7FFFFFFF, v23;
	v24 =	vadd.f32 v24, v25;
	v38 =	vld [tilespmem:s19+$0xFFFFE080]  }
0x105: {  	v25 =	vld [tilespmem:s19+$0x0];
	v33 =	vsub.f32 v33, v35;
	v30 =	vadd.f32 v42, v30;
	v35 =	vand.u32 $0x7FFFFFFF, v37  }
0x106: {  	v21 =	vand.u32 $0x7FFFFFFF, v21;
	v23 =	vadd.f32 v23, v24;
	v37 =	vld [tilespmem:s19+$0x80];
	v32 =	vadd.f32 v32, v35  }
0x107: {  	v22 =	vand.u32 $0x7FFFFFFF, v22;
	v26 =	vand.u32 $0x7FFFFFFF, v26;
	v24 =	vld [tilespmem:s19+$0xFFFFE030];
	v30 =	vsub.f32 v30, v39  }
0x108: {  	v28 =	vand.u32 $0x7FFFFFFF, v28;
	v27 =	vadd.f32 v27, v40;
	v35 =	vld [tilespmem:s19+$0xFFFFE0B0];
	v22 =	vadd.f32 v22, v32  }
0x109: {  	v23 =	vadd.f32 v26, v23;
	v32 =	vld [tilespmem:s19+$0x30];
	v34 =	vadd.f32 v34, v38;
	v30 =	vand.u32 $0x7FFFFFFF, v30  }
0x10a: {  	v25 =	vsub.f32 v27, v25;
	v26 =	vld [tilespmem:s20+$0xFFFFFFB0];
	v22 =	vadd.f32 v28, v22;
	v27 =	vand.u32 $0x7FFFFFFF, v31  }
0x10b: {  	v29 =	vand.u32 $0x7FFFFFFF, v29;
	v28 =	vld [tilespmem:s19+$0xFFFFE040];
	v31 =	vsub.f32 v34, v37;
	v23 =	vadd.f32 v27, v23  }
0x10c: {  	v25 =	vand.u32 $0x7FFFFFFF, v25;
	v19 =	vadd.f32 v19, v24;
	v24 =	vld [tilespmem:s19+$0xB0];
	v22 =	vadd.f32 v29, v22  }
0x10d: {  	v21 =	vadd.f32 v21, v25;
	v25 =	vld [tilespmem:s19+$0x40];
	v27 =	vand.u32 $0x7FFFFFFF, v31;
	v29 =	vperm.xlane v23, v0  }
0x10e: {  	v31 =	vand.u32 $0x7FFFFFFF, v33;
	v19 =	vsub.f32 v19, v32;
	v32 =	vld [tilespmem:s20+$0xFFFFFF60];
	v27 =	vadd.f32 v30, v27  }
0x10f: {  	v21 =	vadd.f32 v31, v21;
	v30 =	vld [tilespmem:s19+$0xFFFFE060];
	v31 =	vand.u32 $0x7FFFFFFF, v36;
	v26 =	vadd.f32 v26, v35  }
0x110: {  	v19 =	vand.u32 $0x7FFFFFFF, v19;
	v15 =	vadd.f32 v15, v28;
	v27 =	vadd.f32 v31, v27;
	v28 =	vld [tilespmem:s19+$0xFFFFE0E0]  }
0x111: {  	v16 =	vand.u32 $0x7FFFFFFF, v16;
	v23 =	vadd.f32 v23, v29;
	v31 =	vld [tilespmem:s20+$0xFFFFFF70];
	v24 =	vsub.f32 v26, v24  }
0x112: {  	v18 =	vand.u32 $0x7FFFFFFF, v18;
	v16 =	vadd.f32 v16, v22;
	v15 =	vsub.f32 v15, v25;
	v25 =	vld [tilespmem:s19+$0xE0]  }
0x113: {  	v19 =	vadd.f32 v19, v21;
	v21 =	vld [tilespmem:s19+$0x60];
	v22 =	vand.u32 $0x7FFFFFFF, v24;
	v24 =	vperm.xlane v23, v1  }
0x114: {  	v16 =	vadd.f32 v18, v16;
	v15 =	vand.u32 $0x7FFFFFFF, v15;
	v26 =	vadd.f32 v32, v30;
	v29 =	vld [tilespmem:s19+$0xFFFFE070]  }
0x115: {  	v14 =	vand.u32 $0x7FFFFFFF, v14;
	v12 =	vadd.f32 v12, v28;
	v18 =	vld [tilespmem:s19+$0xFFFFE0F0];
	v23 =	vadd.f32 v23, v24  }
0x116: {  	v13 =	vand.u32 $0x7FFFFFFF, v13;
	v16 =	vadd.f32 v20, v16;
	v22 =	vadd.f32 v22, v27;
	v24 =	vld [tilespmem:s19+$0x70]  }
0x117: {  	v15 =	vadd.f32 v15, v19;
	v12 =	vsub.f32 v12, v25;
	v19 =	vld [tilespmem:s19+$0xF0];
	v20 =	vperm.xlane v23, v2  }
0x118: {  	v14 =	vadd.f32 v14, v22;
	v22 =	vperm.xlane v16, v0;
	v21 =	vsub.f32 v26, v21  }
0x119: {  	v13 =	vadd.f32 v13, v15;
	v12 =	vand.u32 $0x7FFFFFFF, v12;
	v15 =	vadd.f32 v23, v20  }
0x11a: {  	v16 =	vadd.f32 v16, v22;
	v20 =	vand.u32 $0x7FFFFFFF, v21;
	v11 =	vadd.f32 v11, v18  }
0x11b: {  	v18 =	vadd.f32 v31, v29;
	v13 =	vadd.f32 v20, v13;
	v20 =	vperm.xlane v15, v3  }
0x11c: {  	v14 =	vadd.f32 v17, v14;
	v17 =	vperm.xlane v16, v1;
	v11 =	vsub.f32 v11, v19  }
0x11d: {  	v18 =	vsub.f32 v18, v24;
	v15 =	vadd.f32 v15, v20  }
0x11e: {  	v12 =	vadd.f32 v12, v14;
	v14 =	vadd.f32 v16, v17;
	v11 =	vand.u32 $0x7FFFFFFF, v11  }
0x11f: {  	v16 =	vand.u32 $0x7FFFFFFF, v18  }
0x120: {  	v13 =	vadd.f32 v16, v13;
	v11 =	vadd.f32 v11, v12;
	v12 =	vperm.xlane v14, v2;
	_ =	sdelay $0x1  }
0x121: {  	v16 =	vperm.xlane v13, v0;
	v17 =	vperm.xlane v11, v0;
	v12 =	vadd.f32 v14, v12;
	_ =	sdelay $0x1  }
0x122: {  	v13 =	vadd.f32 v13, v16;
	v11 =	vadd.f32 v11, v17;
	v14 =	vperm.xlane v12, v3;
	_ =	sdelay $0x1  }
0x123: {  	v16 =	vperm.xlane v13, v1;
	v17 =	vperm.xlane v11, v1;
	v12 =	vadd.f32 v12, v14;
	_ =	sdelay $0x1  }
0x124: {  	v13 =	vadd.f32 v13, v16;
	v11 =	vadd.f32 v11, v17;
	_ =	sdelay $0x1  }
0x125: {  	v14 =	vperm.xlane v13, v2;
	v16 =	vperm.xlane v11, v2;
	_ =	sdelay $0x1  }
.Ltmp1:
0x126: {  	v13 =	vadd.f32 v13, v14;
	v16 =	vadd.f32 v11, v16;
	(pc) =	sbr.rel @p1 .LBB2_5-.Ltmp1, $3  }
0x127: {  	v12 =	vsub.f32 $0.0e+00, v12  }
0x128: {  	v11 =	vsub.f32 $0.0e+00, v15;
	v14 =	vperm.xlane v13, v3;
	v17 =	vperm.xlane v16, v3;
	_ =	sdelay $0x1  }
0x129: {  	s24 =	sadd.s32 $0x4, s24;
	v14 =	vadd.f32 v13, v14;
	v13 =	vadd.f32 v16, v17  }
0x12a: {  	_ = 	snop  }
0x12b: {  	s18 =	sadd.s32 $0x1, s18;
	v14 =	vsub.f32 $0.0e+00, v14  }
0x12c: {  	vm0 =	veq.s32 v6, v4;
	v6 =	vsub.f32 $0.0e+00, v13;
	p2 =	sne.s32 s18, $0x8  }
.Ltmp2:
0x12d: {  	vm13 =	veq.s32 v7, v4;
	v9 =	vsel vm0, v14, v9;
	(pc) =	sbr.rel @p2 .LBB2_2-.Ltmp2, $4  }
0x12e: {  	vm14 =	veq.s32 v8, v4;
	p1 =	sne.s32 s22, $0xC;
	v6 =	vsel vm13, v6, v9  }
0x12f: {  	vm15 =	veq.s32 v10, v4;
	s19 =	sand.u32 @!p1 $0xC0, s21;
	v6 =	vsel vm14, v12, v6  }
0x130: {  	s19 =	sshrl.u32 @!p1 s19, $0x2;
	v6 =	vsel vm15, v11, v6  }
0x131: {  	p0 =	por !p0, !p0;
	[tilespmem:v5+s19+$0x0 ss:$0x1] =	vst.idx.msk @!p1 $0xffff, v6  }
0x132: {  	s17 =	sadd.s32 $0x1, s17  }
0x133: {  	p0 =	sne.s32 s17, s8  }
.Ltmp3:
0x134: {  	_ = 	snop;
	(pc) =	sbr.rel @p0 .LBB2_1-.Ltmp3, $4  }
0x135: {  	[hbm4b:s7+s4] =	stream.linear.scatter [tilespmem:s15], [sflag:$0x3], $0x200, $0x38;
	[tilespmem:$0xC800] =	vst v63  }
0x136: {  	_ =	swait.ge [sflag:s9], $0x200  }
0x137: {  	[sflag:s9] =	ssyncset.done $0x0  }
0x138: {  	[sflag:s9] =	ssyncadd.s32 $0xFFFFFE00  }
0x139: {  	_ =	sfence.sel $0x180000  }
0x13a: {  	[bflag:$0x0] =	sbarrier.arrive $0xFFFF  }
0x13b: {  	p0 =	sne.s32 s0, $0x0;
	_ =	strace $0x90000047  }
0x13c: {  	s0 =	sadd.s32 @!p0 $0x100000, s3;
	[bflag:$0x2] =	sbarrier.arrive $0xFFFF  }
0x13d: {  	[sflag:s0] =	ssyncadd.tile.s32 @!p0 $0x1;
	_ =	shalt  }
.Lfunc_end2:
_tile_overlayer_lowered:
.L_overlay_start_2:
0x13e: {  	(tag) =	ssettag $0x2  }
0x13f: {  	s0 =	rddreg [dreg:$0x0];
	s2 =	stileid.u32  }
0x140: {  	s1 =	rddreg [dreg:$0x1];
	p0 =	sne.s32 s2, $0x0  }
0x141: {  	s3 =	rddreg [dreg:$0x2];
	[bflag:$0x3] =	sbarrier.arrive $0xFFFF;
	s2 =	simm.s32 @!p0 $0x1C03  }
0x142: {  	[timem:s3], [sflag:s2] =	dma.local @!p0 [hbm:s0], s1  }
0x143: {  	s0 =	simm.s32 @!p0 $0x3  }
0x144: {  	_ =	swait.ge @!p0 [sflag:s0], s1  }
0x145: {  	s1 =	ssub.s32 @!p0 $0x0, s1;
	[sflag:s0] =	ssyncset.done @!p0 $0x0  }
0x146: {  	[sflag:s0] =	ssyncadd.s32 @!p0 s1  }
0x147: {  	[bflag:$0x3] =	sbarrier.arrive $0xFFFF  }
0x148: {  	_ =	shalt  }

</sc_bundles>
